<compile_context>
chip_gen: v7x
topology: tpu7x:2x2x1
jax: 0.10.2.dev20260603
libtpu: 0.0.44.dev20260713+nightly
codegen_flags: <defaults>
</compile_context>

<pallas_src>
import functools

import jax
import jax.numpy as jnp
from jax import lax
from jax.experimental import pallas as pl

K = 200
TEMPERATURE = 0.07
NUM_CLASSES = 1000

N_BLOCK = 2048
CHUNK = 128
KP = 208
C_BLOCK = 512


def _matmul_body(n_total, q_ref, fb_ref, out_ref, cmax_ref):
    i = pl.program_id(0)
    B = q_ref.shape[0]
    s = jax.lax.dot_general(
        q_ref[...], fb_ref[...],
        dimension_numbers=(((1,), (1,)), ((), ())),
        preferred_element_type=jnp.float32,
    )
    col = jax.lax.broadcasted_iota(jnp.int32, (B, N_BLOCK), 1) + i * N_BLOCK
    s = jnp.where(col < n_total, s, -jnp.inf)
    out_ref[...] = s
    nchunk = N_BLOCK // CHUNK
    cmax_ref[...] = jnp.max(s.reshape(B, nchunk, CHUNK), axis=2)[None]


def _bisect_t0_body(cmax_ref, t0_ref, t0b_ref):
    x = cmax_ref[...]
    B = x.shape[0]
    i = jax.lax.bitcast_convert_type(x, jnp.int32)
    key = jnp.where(i >= 0, i, i ^ jnp.int32(0x7FFFFFFF))

    def step(b, acc):
        bit = jnp.left_shift(jnp.int32(1), jnp.int32(31) - b)
        try_u = acc | bit
        thresh_s = try_u ^ jnp.int32(-2147483648)
        cnt = jnp.sum((key >= thresh_s).astype(jnp.int32), axis=1,
                      keepdims=True)
        return jnp.where(cnt >= K, try_u, acc)

    acc = jax.lax.fori_loop(0, 32, step, jnp.zeros((B, 1), jnp.int32))
    t0key = acc ^ jnp.int32(-2147483648)
    t0i = jnp.where(t0key >= 0, t0key, t0key ^ jnp.int32(0x7FFFFFFF))
    t0 = jax.lax.bitcast_convert_type(t0i, jnp.float32)
    t0_ref[...] = t0
    t0b_ref[...] = jnp.broadcast_to(t0, (B, 16))


def _build_sim_and_t0(query_feature, feature_bank):
    B, D = query_feature.shape
    N = feature_bank.shape[0]
    n_blocks = pl.cdiv(N, N_BLOCK)
    NPAD = n_blocks * N_BLOCK
    NCH = NPAD // CHUNK

    sim, cmax = pl.pallas_call(
        functools.partial(_matmul_body, N),
        grid=(n_blocks,),
        in_specs=[
            pl.BlockSpec((B, D), lambda i: (0, 0)),
            pl.BlockSpec((N_BLOCK, D), lambda i: (i, 0)),
        ],
        out_specs=[
            pl.BlockSpec((B, N_BLOCK), lambda i: (0, i)),
            pl.BlockSpec((1, B, N_BLOCK // CHUNK), lambda i: (i, 0, 0)),
        ],
        out_shape=[
            jax.ShapeDtypeStruct((B, NPAD), jnp.float32),
            jax.ShapeDtypeStruct((n_blocks, B, N_BLOCK // CHUNK), jnp.float32),
        ],
    )(query_feature, feature_bank)
    cmax = jnp.transpose(cmax, (1, 0, 2)).reshape(B, NCH)

    t0, t0b = pl.pallas_call(
        _bisect_t0_body,
        in_specs=[pl.BlockSpec((B, NCH), lambda: (0, 0))],
        out_specs=[
            pl.BlockSpec((B, 1), lambda: (0, 0)),
            pl.BlockSpec((B, 16), lambda: (0, 0)),
        ],
        out_shape=[
            jax.ShapeDtypeStruct((B, 1), jnp.float32),
            jax.ShapeDtypeStruct((B, 16), jnp.float32),
        ],
    )(cmax)
    return sim, cmax, t0, t0b


def _vote_body(st_ref, labt_ref, out_ref):
    cb = pl.program_id(0)
    kc = pl.program_id(1)
    B = st_ref.shape[1]

    @pl.when(kc == 0)
    def _():
        out_ref[...] = jnp.zeros((B, C_BLOCK), jnp.float32)

    w_t = jnp.exp(st_ref[...].T / TEMPERATURE)
    lab_t = labt_ref[...].T
    cls = jax.lax.broadcasted_iota(jnp.int32, (B, C_BLOCK), 1) + cb * C_BLOCK
    acc = jnp.zeros((B, C_BLOCK), jnp.float32)
    for j in range(16):
        acc += jnp.where(lab_t[:, j:j + 1] == cls, w_t[:, j:j + 1], 0.0)
    out_ref[...] += acc


def _vote_and_rank(sim_topk, sim_labels, B):
    st = jnp.pad(sim_topk.T, ((0, KP - K), (0, 0)), constant_values=0.0)
    labt = jnp.pad(sim_labels.T, ((0, KP - K), (0, 0)), constant_values=-1)
    pred_scores = pl.pallas_call(
        _vote_body,
        grid=(2, KP // 16),
        in_specs=[
            pl.BlockSpec((16, B), lambda cb, kc: (kc, 0)),
            pl.BlockSpec((16, B), lambda cb, kc: (kc, 0)),
        ],
        out_specs=pl.BlockSpec((B, C_BLOCK), lambda cb, kc: (0, cb)),
        out_shape=jax.ShapeDtypeStruct((B, 1024), jnp.float32),
    )(st, labt)[:, :NUM_CLASSES]
    return jnp.argsort(-pred_scores, axis=-1)


def kernel(query_feature, feature_bank, target_bank):
    B, D = query_feature.shape
    N = feature_bank.shape[0]

    sim, cmax, t0, t0b = _build_sim_and_t0(query_feature, feature_bank)
    n_blocks = pl.cdiv(N, N_BLOCK)
    NPAD = n_blocks * N_BLOCK
    NCH = NPAD // CHUNK

    _, chunk_ids = jax.lax.top_k(cmax, 256)
    chunk_ids = jnp.sort(chunk_ids, axis=1)
    sim3 = sim.reshape(B, NCH, CHUNK)
    gath = jnp.take_along_axis(sim3, chunk_ids[:, :, None], axis=1)
    gidx = (chunk_ids[:, :, None] * CHUNK
            + jnp.arange(CHUNK, dtype=jnp.int32)[None, None, :])
    gath = gath.reshape(B, 256 * CHUNK)
    gidx = gidx.reshape(B, 256 * CHUNK)

    cmax16 = jnp.max(gath.reshape(B, 2048, 16), axis=2)
    _, cid16 = jax.lax.top_k(cmax16, 256)
    cid16 = jnp.sort(cid16, axis=1)
    g2 = jnp.take_along_axis(gath.reshape(B, 2048, 16),
                             cid16[:, :, None], axis=1).reshape(B, 4096)
    i2 = jnp.take_along_axis(gidx.reshape(B, 2048, 16),
                             cid16[:, :, None], axis=1).reshape(B, 4096)

    topv, pos = jax.lax.top_k(g2, K)
    topi = jnp.take_along_axis(i2, pos, axis=1)
    sim_labels = jnp.take(target_bank, topi, axis=0)
    return _vote_and_rank(topv, sim_labels, B)

# --- scband reference (transcript-rebuilt; emitter-appended) ---
"""Pipeline reference for scband-knnonline-evaluator-78297253806766 (READ-ONLY COPY).

The authoritative reference and input builder live on the scoring server;
editing this copy changes nothing except your own understanding.
"""

import jax, jax.numpy as jnp
import numpy as np

K = 200
TEMPERATURE = 0.07
NUM_CLASSES = 1000


def setup_inputs(seed: int = 0) -> dict:
    key = jax.random.key(seed)
    k1, k2, k3 = jax.random.split(key, 3)
    query_feature = jax.random.normal(k1, (1024, 128), dtype=jnp.float32)
    feature_bank = jax.random.normal(k2, (100000, 128), dtype=jnp.float32)
    target_bank = jax.random.randint(k3, (100000,), 0, NUM_CLASSES, dtype=jnp.int32)
    return {
        "query_feature": query_feature,
        "feature_bank": feature_bank,
        "target_bank": target_bank,
    }


def reference(query_feature, feature_bank, target_bank):
    # sim_matrix = query_feature @ feature_bank.T  -> (B, N)
    sim_matrix = query_feature @ feature_bank.T
    # top-k over bank dimension
    sim_weight, sim_indices = jax.lax.top_k(sim_matrix, K)  # (B, k)
    # gather labels of nearest neighbors
    sim_labels = jnp.take(target_bank, sim_indices, axis=0)  # (B, k)
    # temperature-scaled exponential weights
    sim_weight = jnp.exp(sim_weight / TEMPERATURE)  # (B, k)
    # one-hot scatter of neighbor labels: (B, k, C)
    one_hot_label = jax.nn.one_hot(sim_labels, NUM_CLASSES, dtype=jnp.float32)
    # weighted vote: (B, C)
    pred_scores = jnp.sum(one_hot_label * sim_weight[..., None], axis=1)
    # descending argsort of class scores
    pred_labels = jnp.argsort(-pred_scores, axis=-1)
    return pred_labels

if __name__ == "__main__":
    import jax
    _d = setup_inputs()
    print(jax.jit(kernel)(*tuple(_d.values())))

</pallas_src>

<mosaic_0001>
module attributes {stable_mosaic.version = 14 : i64} {
  func.func @_matmul_body(%arg0: i32, %arg1: memref<1024x128xf32, #tpu.memory_space<vmem>>, %arg2: memref<2048x128xf32, #tpu.memory_space<vmem>>, %arg3: memref<1024x2048xf32, #tpu.memory_space<vmem>>, %arg4: memref<1x1024x16xf32, #tpu.memory_space<vmem>>) attributes {dimension_semantics = [#tpu.dimension_semantics<arbitrary>], iteration_bounds = array<i64: 49>, scalar_prefetch = 0 : i64, scratch_operands = 0 : i64, tpu.core_type = #tpu.core_type<tc>, window_params = [{pipeline_mode = #tpu.pipeline_mode<synchronous>, transform_indices = @transform_0, window_bounds = array<i64: 1024, 128>}, {transform_indices = @transform_1, window_bounds = array<i64: 2048, 128>}, {transform_indices = @transform_2, window_bounds = array<i64: 1024, 2048>}, {transform_indices = @transform_3, window_bounds = array<i64: 1, 1024, 16>}]} {
    %get3A = arith.constant 0 : index
    %get3A_0 = arith.constant 0 : index
    %get3A_1 = vector.load %arg1[%get3A, %get3A_0] : memref<1024x128xf32, #tpu.memory_space<vmem>>, vector<1024x128xf32>
    %get3A_2 = arith.constant 0 : index
    %get3A_3 = arith.constant 0 : index
    %get3A_4 = vector.load %arg2[%get3A_2, %get3A_3] : memref<2048x128xf32, #tpu.memory_space<vmem>>, vector<2048x128xf32>
    %dot_general3A = arith.constant dense<0.000000e+00> : vector<1024x2048xf32>
    %dot_general3A_5 = tpu.matmul %get3A_1, %get3A_4, %dot_general3A {dimension_numbers = #tpu.dot_dimension_numbers<[1], [1], [0], [0], [0, 0, 1, 0], [], []>, transpose_lhs_hint = false} : vector<1024x128xf32>, vector<2048x128xf32>, vector<1024x2048xf32> -> vector<1024x2048xf32>
    %iota3A = tpu.iota {dimensions = array<i32: 1>} : vector<1024x2048xi32>
    %mul3A = arith.constant 2048 : i32
    %mul3A_6 = arith.muli %arg0, %mul3A : i32
    %add3A = vector.broadcast %mul3A_6 : i32 to vector<1024x2048xi32>
    %add3A_7 = arith.addi %iota3A, %add3A : vector<1024x2048xi32>
    %lt3A = arith.constant 100000 : i32
    %lt3A_8 = vector.broadcast %lt3A : i32 to vector<1024x2048xi32>
    %lt3A_9 = arith.cmpi slt, %add3A_7, %lt3A_8 : vector<1024x2048xi32>
    %jit3A = arith.constant 0xFF800000 : f32
    %broadcast_in_dim3A = vector.broadcast %jit3A : f32 to vector<1024x2048xf32>
    %select_n3A = arith.select %lt3A_9, %dot_general3A_5, %broadcast_in_dim3A : vector<1024x2048xi1>, vector<1024x2048xf32>
    %swap3A = arith.constant 0 : index
    %swap3A_10 = arith.constant 0 : index
    %swap3A_11 = vector.load %arg3[%swap3A, %swap3A_10] : memref<1024x2048xf32, #tpu.memory_space<vmem>>, vector<1024x2048xf32>
    tpu.vector_store %arg3[%swap3A, %swap3A_10], %select_n3A {strides = array<i32>} : memref<1024x2048xf32, #tpu.memory_space<vmem>>, vector<1024x2048xf32>,
    %reshape3A = vector.shape_cast %select_n3A : vector<1024x2048xf32> to vector<1024x16x128xf32>
    %reduce_max3A = arith.constant dense<0xFF800000> : vector<1024x16xf32>
    %reduce_max3A_12 = vector.multi_reduction <maximumf>, %reshape3A, %reduce_max3A [2] : vector<1024x16x128xf32> to vector<1024x16xf32>
    %broadcast_in_dim3A_13 = vector.shape_cast %reduce_max3A_12 : vector<1024x16xf32> to vector<1x1024x16xf32>
    %swap3A_14 = arith.constant 0 : index
    %swap3A_15 = arith.constant 0 : index
    %swap3A_16 = arith.constant 0 : index
    %swap3A_17 = vector.load %arg4[%swap3A_14, %swap3A_15, %swap3A_16] : memref<1x1024x16xf32, #tpu.memory_space<vmem>>, vector<1x1024x16xf32>
    tpu.vector_store %arg4[%swap3A_14, %swap3A_15, %swap3A_16], %broadcast_in_dim3A_13 {strides = array<i32>} : memref<1x1024x16xf32, #tpu.memory_space<vmem>>, vector<1x1024x16xf32>,
    return
  }
  func.func @transform_0(%arg0: i32) -> (i32, i32) {
    %c0_i32 = arith.constant 0 : i32
    %c0_i32_0 = arith.constant 0 : i32
    %c0_i32_1 = arith.constant 0 : i32
    return %c0_i32, %c0_i32_0 : i32, i32
  }
  func.func @transform_1(%arg0: i32) -> (i32, i32) {
    %c0_i32 = arith.constant 0 : i32
    %c0_i32_0 = arith.constant 0 : i32
    return %arg0, %c0_i32 : i32, i32
  }
  func.func @transform_2(%arg0: i32) -> (i32, i32) {
    %c0_i32 = arith.constant 0 : i32
    %c0_i32_0 = arith.constant 0 : i32
    return %c0_i32, %arg0 : i32, i32
  }
  func.func @transform_3(%arg0: i32) -> (i32, i32, i32) {
    %c0_i32 = arith.constant 0 : i32
    %c0_i32_0 = arith.constant 0 : i32
    %c0_i32_1 = arith.constant 0 : i32
    return %arg0, %c0_i32, %c0_i32_0 : i32, i32, i32
  }
}

module attributes {stable_mosaic.version = 14 : i64} {
  func.func @_vote_body(%arg0: i32, %arg1: i32, %arg2: memref<16x1024xf32, #tpu.memory_space<vmem>>, %arg3: memref<16x1024xi32, #tpu.memory_space<vmem>>, %arg4: memref<1024x512xf32, #tpu.memory_space<vmem>>) attributes {dimension_semantics = [#tpu.dimension_semantics<arbitrary>, #tpu.dimension_semantics<arbitrary>], iteration_bounds = array<i64: 2, 13>, scalar_prefetch = 0 : i64, scratch_operands = 0 : i64, tpu.core_type = #tpu.core_type<tc>, window_params = [{transform_indices = @transform_0, window_bounds = array<i64: 16, 1024>}, {transform_indices = @transform_1, window_bounds = array<i64: 16, 1024>}, {transform_indices = @transform_2, window_bounds = array<i64: 1024, 512>}]} {
    %eq3A = arith.constant 0 : i32
    %eq3A_0 = arith.cmpi eq, %arg1, %eq3A : i32
    %convert_element_type3A = arith.extui %eq3A_0 : i1 to i32
    %cond3A = arith.constant 0 : i32
    %cond3A_1 = arith.cmpi ne, %convert_element_type3A, %cond3A : i32
    scf.if %cond3A_1 {
      %broadcast_in_dim3A_176 = arith.constant 0.000000e+00 : f32
      %broadcast_in_dim3A_177 = vector.broadcast %broadcast_in_dim3A_176 : f32 to vector<1024x512xf32>
      %swap3A_178 = arith.constant 0 : index
      %swap3A_179 = arith.constant 0 : index
      %swap3A_180 = vector.load %arg4[%swap3A_178, %swap3A_179] : memref<1024x512xf32, #tpu.memory_space<vmem>>, vector<1024x512xf32>
      tpu.vector_store %arg4[%swap3A_178, %swap3A_179], %broadcast_in_dim3A_177 {strides = array<i32>} : memref<1024x512xf32, #tpu.memory_space<vmem>>, vector<1024x512xf32>,
    } else {
    }
    %get3A = arith.constant 0 : index
    %get3A_2 = arith.constant 0 : index
    %get3A_3 = vector.load %arg2[%get3A, %get3A_2] : memref<16x1024xf32, #tpu.memory_space<vmem>>, vector<16x1024xf32>
    %transpose3A = tpu.transpose %get3A_3, [1, 0] : vector<16x1024xf32> -> vector<1024x16xf32>
    %div3A = arith.constant 7.000000e-02 : f32
    %div3A_4 = vector.broadcast %div3A : f32 to vector<1024x16xf32>
    %div3A_5 = arith.divf %transpose3A, %div3A_4 : vector<1024x16xf32>
    %exp3A = math.exp %div3A_5 : vector<1024x16xf32>
    %get3A_6 = arith.constant 0 : index
    %get3A_7 = arith.constant 0 : index
    %get3A_8 = vector.load %arg3[%get3A_6, %get3A_7] : memref<16x1024xi32, #tpu.memory_space<vmem>>, vector<16x1024xi32>
    %transpose3A_9 = tpu.transpose %get3A_8, [1, 0] : vector<16x1024xi32> -> vector<1024x16xi32>
    %iota3A = tpu.iota {dimensions = array<i32: 1>} : vector<1024x512xi32>
    %mul3A = arith.constant 512 : i32
    %mul3A_10 = arith.muli %arg0, %mul3A : i32
    %add3A = vector.broadcast %mul3A_10 : i32 to vector<1024x512xi32>
    %add3A_11 = arith.addi %iota3A, %add3A : vector<1024x512xi32>
    %broadcast_in_dim3A = arith.constant 0.000000e+00 : f32
    %broadcast_in_dim3A_12 = vector.broadcast %broadcast_in_dim3A : f32 to vector<1024x512xf32>
    %slice3A = vector.extract_strided_slice %transpose3A_9 {offsets = [0, 0], sizes = [1024, 1], strides = [1, 1]} : vector<1024x16xi32> to vector<1024x1xi32>
    %eq3A_13 = vector.broadcast %slice3A : vector<1024x1xi32> to vector<1024x512xi32>
    %eq3A_14 = arith.cmpi eq, %eq3A_13, %add3A_11 : vector<1024x512xi32>
    %slice3A_15 = vector.extract_strided_slice %exp3A {offsets = [0, 0], sizes = [1024, 1], strides = [1, 1]} : vector<1024x16xf32> to vector<1024x1xf32>
    %jit3A = arith.constant 0.000000e+00 : f32
    %broadcast_in_dim3A_16 = vector.shape_cast %slice3A_15 : vector<1024x1xf32> to vector<1024x1xf32>
    %broadcast_in_dim3A_17 = vector.broadcast %broadcast_in_dim3A_16 : vector<1024x1xf32> to vector<1024x512xf32>
    %broadcast_in_dim3A_18 = vector.broadcast %jit3A : f32 to vector<1024x512xf32>
    %select_n3A = arith.select %eq3A_14, %broadcast_in_dim3A_17, %broadcast_in_dim3A_18 : vector<1024x512xi1>, vector<1024x512xf32>
    %add3A_19 = arith.addf %broadcast_in_dim3A_12, %select_n3A : vector<1024x512xf32>
    %slice3A_20 = vector.extract_strided_slice %transpose3A_9 {offsets = [0, 1], sizes = [1024, 1], strides = [1, 1]} : vector<1024x16xi32> to vector<1024x1xi32>
    %eq3A_21 = vector.broadcast %slice3A_20 : vector<1024x1xi32> to vector<1024x512xi32>
    %eq3A_22 = arith.cmpi eq, %eq3A_21, %add3A_11 : vector<1024x512xi32>
    %slice3A_23 = vector.extract_strided_slice %exp3A {offsets = [0, 1], sizes = [1024, 1], strides = [1, 1]} : vector<1024x16xf32> to vector<1024x1xf32>
    %jit3A_24 = arith.constant 0.000000e+00 : f32
    %broadcast_in_dim3A_25 = vector.shape_cast %slice3A_23 : vector<1024x1xf32> to vector<1024x1xf32>
    %broadcast_in_dim3A_26 = vector.broadcast %broadcast_in_dim3A_25 : vector<1024x1xf32> to vector<1024x512xf32>
    %broadcast_in_dim3A_27 = vector.broadcast %jit3A_24 : f32 to vector<1024x512xf32>
    %select_n3A_28 = arith.select %eq3A_22, %broadcast_in_dim3A_26, %broadcast_in_dim3A_27 : vector<1024x512xi1>, vector<1024x512xf32>
    %add3A_29 = arith.addf %add3A_19, %select_n3A_28 : vector<1024x512xf32>
    %slice3A_30 = vector.extract_strided_slice %transpose3A_9 {offsets = [0, 2], sizes = [1024, 1], strides = [1, 1]} : vector<1024x16xi32> to vector<1024x1xi32>
    %eq3A_31 = vector.broadcast %slice3A_30 : vector<1024x1xi32> to vector<1024x512xi32>
    %eq3A_32 = arith.cmpi eq, %eq3A_31, %add3A_11 : vector<1024x512xi32>
    %slice3A_33 = vector.extract_strided_slice %exp3A {offsets = [0, 2], sizes = [1024, 1], strides = [1, 1]} : vector<1024x16xf32> to vector<1024x1xf32>
    %jit3A_34 = arith.constant 0.000000e+00 : f32
    %broadcast_in_dim3A_35 = vector.shape_cast %slice3A_33 : vector<1024x1xf32> to vector<1024x1xf32>
    %broadcast_in_dim3A_36 = vector.broadcast %broadcast_in_dim3A_35 : vector<1024x1xf32> to vector<1024x512xf32>
    %broadcast_in_dim3A_37 = vector.broadcast %jit3A_34 : f32 to vector<1024x512xf32>
    %select_n3A_38 = arith.select %eq3A_32, %broadcast_in_dim3A_36, %broadcast_in_dim3A_37 : vector<1024x512xi1>, vector<1024x512xf32>
    %add3A_39 = arith.addf %add3A_29, %select_n3A_38 : vector<1024x512xf32>
    %slice3A_40 = vector.extract_strided_slice %transpose3A_9 {offsets = [0, 3], sizes = [1024, 1], strides = [1, 1]} : vector<1024x16xi32> to vector<1024x1xi32>
    %eq3A_41 = vector.broadcast %slice3A_40 : vector<1024x1xi32> to vector<1024x512xi32>
    %eq3A_42 = arith.cmpi eq, %eq3A_41, %add3A_11 : vector<1024x512xi32>
    %slice3A_43 = vector.extract_strided_slice %exp3A {offsets = [0, 3], sizes = [1024, 1], strides = [1, 1]} : vector<1024x16xf32> to vector<1024x1xf32>
    %jit3A_44 = arith.constant 0.000000e+00 : f32
    %broadcast_in_dim3A_45 = vector.shape_cast %slice3A_43 : vector<1024x1xf32> to vector<1024x1xf32>
    %broadcast_in_dim3A_46 = vector.broadcast %broadcast_in_dim3A_45 : vector<1024x1xf32> to vector<1024x512xf32>
    %broadcast_in_dim3A_47 = vector.broadcast %jit3A_44 : f32 to vector<1024x512xf32>
    %select_n3A_48 = arith.select %eq3A_42, %broadcast_in_dim3A_46, %broadcast_in_dim3A_47 : vector<1024x512xi1>, vector<1024x512xf32>
    %add3A_49 = arith.addf %add3A_39, %select_n3A_48 : vector<1024x512xf32>
    %slice3A_50 = vector.extract_strided_slice %transpose3A_9 {offsets = [0, 4], sizes = [1024, 1], strides = [1, 1]} : vector<1024x16xi32> to vector<1024x1xi32>
    %eq3A_51 = vector.broadcast %slice3A_50 : vector<1024x1xi32> to vector<1024x512xi32>
    %eq3A_52 = arith.cmpi eq, %eq3A_51, %add3A_11 : vector<1024x512xi32>
    %slice3A_53 = vector.extract_strided_slice %exp3A {offsets = [0, 4], sizes = [1024, 1], strides = [1, 1]} : vector<1024x16xf32> to vector<1024x1xf32>
    %jit3A_54 = arith.constant 0.000000e+00 : f32
    %broadcast_in_dim3A_55 = vector.shape_cast %slice3A_53 : vector<1024x1xf32> to vector<1024x1xf32>
    %broadcast_in_dim3A_56 = vector.broadcast %broadcast_in_dim3A_55 : vector<1024x1xf32> to vector<1024x512xf32>
    %broadcast_in_dim3A_57 = vector.broadcast %jit3A_54 : f32 to vector<1024x512xf32>
    %select_n3A_58 = arith.select %eq3A_52, %broadcast_in_dim3A_56, %broadcast_in_dim3A_57 : vector<1024x512xi1>, vector<1024x512xf32>
    %add3A_59 = arith.addf %add3A_49, %select_n3A_58 : vector<1024x512xf32>
    %slice3A_60 = vector.extract_strided_slice %transpose3A_9 {offsets = [0, 5], sizes = [1024, 1], strides = [1, 1]} : vector<1024x16xi32> to vector<1024x1xi32>
    %eq3A_61 = vector.broadcast %slice3A_60 : vector<1024x1xi32> to vector<1024x512xi32>
    %eq3A_62 = arith.cmpi eq, %eq3A_61, %add3A_11 : vector<1024x512xi32>
    %slice3A_63 = vector.extract_strided_slice %exp3A {offsets = [0, 5], sizes = [1024, 1], strides = [1, 1]} : vector<1024x16xf32> to vector<1024x1xf32>
    %jit3A_64 = arith.constant 0.000000e+00 : f32
    %broadcast_in_dim3A_65 = vector.shape_cast %slice3A_63 : vector<1024x1xf32> to vector<1024x1xf32>
    %broadcast_in_dim3A_66 = vector.broadcast %broadcast_in_dim3A_65 : vector<1024x1xf32> to vector<1024x512xf32>
    %broadcast_in_dim3A_67 = vector.broadcast %jit3A_64 : f32 to vector<1024x512xf32>
    %select_n3A_68 = arith.select %eq3A_62, %broadcast_in_dim3A_66, %broadcast_in_dim3A_67 : vector<1024x512xi1>, vector<1024x512xf32>
    %add3A_69 = arith.addf %add3A_59, %select_n3A_68 : vector<1024x512xf32>
    %slice3A_70 = vector.extract_strided_slice %transpose3A_9 {offsets = [0, 6], sizes = [1024, 1], strides = [1, 1]} : vector<1024x16xi32> to vector<1024x1xi32>
    %eq3A_71 = vector.broadcast %slice3A_70 : vector<1024x1xi32> to vector<1024x512xi32>
    %eq3A_72 = arith.cmpi eq, %eq3A_71, %add3A_11 : vector<1024x512xi32>
    %slice3A_73 = vector.extract_strided_slice %exp3A {offsets = [0, 6], sizes = [1024, 1], strides = [1, 1]} : vector<1024x16xf32> to vector<1024x1xf32>
    %jit3A_74 = arith.constant 0.000000e+00 : f32
    %broadcast_in_dim3A_75 = vector.shape_cast %slice3A_73 : vector<1024x1xf32> to vector<1024x1xf32>
    %broadcast_in_dim3A_76 = vector.broadcast %broadcast_in_dim3A_75 : vector<1024x1xf32> to vector<1024x512xf32>
    %broadcast_in_dim3A_77 = vector.broadcast %jit3A_74 : f32 to vector<1024x512xf32>
    %select_n3A_78 = arith.select %eq3A_72, %broadcast_in_dim3A_76, %broadcast_in_dim3A_77 : vector<1024x512xi1>, vector<1024x512xf32>
    %add3A_79 = arith.addf %add3A_69, %select_n3A_78 : vector<1024x512xf32>
    %slice3A_80 = vector.extract_strided_slice %transpose3A_9 {offsets = [0, 7], sizes = [1024, 1], strides = [1, 1]} : vector<1024x16xi32> to vector<1024x1xi32>
    %eq3A_81 = vector.broadcast %slice3A_80 : vector<1024x1xi32> to vector<1024x512xi32>
    %eq3A_82 = arith.cmpi eq, %eq3A_81, %add3A_11 : vector<1024x512xi32>
    %slice3A_83 = vector.extract_strided_slice %exp3A {offsets = [0, 7], sizes = [1024, 1], strides = [1, 1]} : vector<1024x16xf32> to vector<1024x1xf32>
    %jit3A_84 = arith.constant 0.000000e+00 : f32
    %broadcast_in_dim3A_85 = vector.shape_cast %slice3A_83 : vector<1024x1xf32> to vector<1024x1xf32>
    %broadcast_in_dim3A_86 = vector.broadcast %broadcast_in_dim3A_85 : vector<1024x1xf32> to vector<1024x512xf32>
    %broadcast_in_dim3A_87 = vector.broadcast %jit3A_84 : f32 to vector<1024x512xf32>
    %select_n3A_88 = arith.select %eq3A_82, %broadcast_in_dim3A_86, %broadcast_in_dim3A_87 : vector<1024x512xi1>, vector<1024x512xf32>
    %add3A_89 = arith.addf %add3A_79, %select_n3A_88 : vector<1024x512xf32>
    %slice3A_90 = vector.extract_strided_slice %transpose3A_9 {offsets = [0, 8], sizes = [1024, 1], strides = [1, 1]} : vector<1024x16xi32> to vector<1024x1xi32>
    %eq3A_91 = vector.broadcast %slice3A_90 : vector<1024x1xi32> to vector<1024x512xi32>
    %eq3A_92 = arith.cmpi eq, %eq3A_91, %add3A_11 : vector<1024x512xi32>
    %slice3A_93 = vector.extract_strided_slice %exp3A {offsets = [0, 8], sizes = [1024, 1], strides = [1, 1]} : vector<1024x16xf32> to vector<1024x1xf32>
    %jit3A_94 = arith.constant 0.000000e+00 : f32
    %broadcast_in_dim3A_95 = vector.shape_cast %slice3A_93 : vector<1024x1xf32> to vector<1024x1xf32>
    %broadcast_in_dim3A_96 = vector.broadcast %broadcast_in_dim3A_95 : vector<1024x1xf32> to vector<1024x512xf32>
    %broadcast_in_dim3A_97 = vector.broadcast %jit3A_94 : f32 to vector<1024x512xf32>
    %select_n3A_98 = arith.select %eq3A_92, %broadcast_in_dim3A_96, %broadcast_in_dim3A_97 : vector<1024x512xi1>, vector<1024x512xf32>
    %add3A_99 = arith.addf %add3A_89, %select_n3A_98 : vector<1024x512xf32>
    %slice3A_100 = vector.extract_strided_slice %transpose3A_9 {offsets = [0, 9], sizes = [1024, 1], strides = [1, 1]} : vector<1024x16xi32> to vector<1024x1xi32>
    %eq3A_101 = vector.broadcast %slice3A_100 : vector<1024x1xi32> to vector<1024x512xi32>
    %eq3A_102 = arith.cmpi eq, %eq3A_101, %add3A_11 : vector<1024x512xi32>
    %slice3A_103 = vector.extract_strided_slice %exp3A {offsets = [0, 9], sizes = [1024, 1], strides = [1, 1]} : vector<1024x16xf32> to vector<1024x1xf32>
    %jit3A_104 = arith.constant 0.000000e+00 : f32
    %broadcast_in_dim3A_105 = vector.shape_cast %slice3A_103 : vector<1024x1xf32> to vector<1024x1xf32>
    %broadcast_in_dim3A_106 = vector.broadcast %broadcast_in_dim3A_105 : vector<1024x1xf32> to vector<1024x512xf32>
    %broadcast_in_dim3A_107 = vector.broadcast %jit3A_104 : f32 to vector<1024x512xf32>
    %select_n3A_108 = arith.select %eq3A_102, %broadcast_in_dim3A_106, %broadcast_in_dim3A_107 : vector<1024x512xi1>, vector<1024x512xf32>
    %add3A_109 = arith.addf %add3A_99, %select_n3A_108 : vector<1024x512xf32>
    %slice3A_110 = vector.extract_strided_slice %transpose3A_9 {offsets = [0, 10], sizes = [1024, 1], strides = [1, 1]} : vector<1024x16xi32> to vector<1024x1xi32>
    %eq3A_111 = vector.broadcast %slice3A_110 : vector<1024x1xi32> to vector<1024x512xi32>
    %eq3A_112 = arith.cmpi eq, %eq3A_111, %add3A_11 : vector<1024x512xi32>
    %slice3A_113 = vector.extract_strided_slice %exp3A {offsets = [0, 10], sizes = [1024, 1], strides = [1, 1]} : vector<1024x16xf32> to vector<1024x1xf32>
    %jit3A_114 = arith.constant 0.000000e+00 : f32
    %broadcast_in_dim3A_115 = vector.shape_cast %slice3A_113 : vector<1024x1xf32> to vector<1024x1xf32>
    %broadcast_in_dim3A_116 = vector.broadcast %broadcast_in_dim3A_115 : vector<1024x1xf32> to vector<1024x512xf32>
    %broadcast_in_dim3A_117 = vector.broadcast %jit3A_114 : f32 to vector<1024x512xf32>
    %select_n3A_118 = arith.select %eq3A_112, %broadcast_in_dim3A_116, %broadcast_in_dim3A_117 : vector<1024x512xi1>, vector<1024x512xf32>
    %add3A_119 = arith.addf %add3A_109, %select_n3A_118 : vector<1024x512xf32>
    %slice3A_120 = vector.extract_strided_slice %transpose3A_9 {offsets = [0, 11], sizes = [1024, 1], strides = [1, 1]} : vector<1024x16xi32> to vector<1024x1xi32>
    %eq3A_121 = vector.broadcast %slice3A_120 : vector<1024x1xi32> to vector<1024x512xi32>
    %eq3A_122 = arith.cmpi eq, %eq3A_121, %add3A_11 : vector<1024x512xi32>
    %slice3A_123 = vector.extract_strided_slice %exp3A {offsets = [0, 11], sizes = [1024, 1], strides = [1, 1]} : vector<1024x16xf32> to vector<1024x1xf32>
    %jit3A_124 = arith.constant 0.000000e+00 : f32
    %broadcast_in_dim3A_125 = vector.shape_cast %slice3A_123 : vector<1024x1xf32> to vector<1024x1xf32>
    %broadcast_in_dim3A_126 = vector.broadcast %broadcast_in_dim3A_125 : vector<1024x1xf32> to vector<1024x512xf32>
    %broadcast_in_dim3A_127 = vector.broadcast %jit3A_124 : f32 to vector<1024x512xf32>
    %select_n3A_128 = arith.select %eq3A_122, %broadcast_in_dim3A_126, %broadcast_in_dim3A_127 : vector<1024x512xi1>, vector<1024x512xf32>
    %add3A_129 = arith.addf %add3A_119, %select_n3A_128 : vector<1024x512xf32>
    %slice3A_130 = vector.extract_strided_slice %transpose3A_9 {offsets = [0, 12], sizes = [1024, 1], strides = [1, 1]} : vector<1024x16xi32> to vector<1024x1xi32>
    %eq3A_131 = vector.broadcast %slice3A_130 : vector<1024x1xi32> to vector<1024x512xi32>
    %eq3A_132 = arith.cmpi eq, %eq3A_131, %add3A_11 : vector<1024x512xi32>
    %slice3A_133 = vector.extract_strided_slice %exp3A {offsets = [0, 12], sizes = [1024, 1], strides = [1, 1]} : vector<1024x16xf32> to vector<1024x1xf32>
    %jit3A_134 = arith.constant 0.000000e+00 : f32
    %broadcast_in_dim3A_135 = vector.shape_cast %slice3A_133 : vector<1024x1xf32> to vector<1024x1xf32>
    %broadcast_in_dim3A_136 = vector.broadcast %broadcast_in_dim3A_135 : vector<1024x1xf32> to vector<1024x512xf32>
    %broadcast_in_dim3A_137 = vector.broadcast %jit3A_134 : f32 to vector<1024x512xf32>
    %select_n3A_138 = arith.select %eq3A_132, %broadcast_in_dim3A_136, %broadcast_in_dim3A_137 : vector<1024x512xi1>, vector<1024x512xf32>
    %add3A_139 = arith.addf %add3A_129, %select_n3A_138 : vector<1024x512xf32>
    %slice3A_140 = vector.extract_strided_slice %transpose3A_9 {offsets = [0, 13], sizes = [1024, 1], strides = [1, 1]} : vector<1024x16xi32> to vector<1024x1xi32>
    %eq3A_141 = vector.broadcast %slice3A_140 : vector<1024x1xi32> to vector<1024x512xi32>
    %eq3A_142 = arith.cmpi eq, %eq3A_141, %add3A_11 : vector<1024x512xi32>
    %slice3A_143 = vector.extract_strided_slice %exp3A {offsets = [0, 13], sizes = [1024, 1], strides = [1, 1]} : vector<1024x16xf32> to vector<1024x1xf32>
    %jit3A_144 = arith.constant 0.000000e+00 : f32
    %broadcast_in_dim3A_145 = vector.shape_cast %slice3A_143 : vector<1024x1xf32> to vector<1024x1xf32>
    %broadcast_in_dim3A_146 = vector.broadcast %broadcast_in_dim3A_145 : vector<1024x1xf32> to vector<1024x512xf32>
    %broadcast_in_dim3A_147 = vector.broadcast %jit3A_144 : f32 to vector<1024x512xf32>
    %select_n3A_148 = arith.select %eq3A_142, %broadcast_in_dim3A_146, %broadcast_in_dim3A_147 : vector<1024x512xi1>, vector<1024x512xf32>
    %add3A_149 = arith.addf %add3A_139, %select_n3A_148 : vector<1024x512xf32>
    %slice3A_150 = vector.extract_strided_slice %transpose3A_9 {offsets = [0, 14], sizes = [1024, 1], strides = [1, 1]} : vector<1024x16xi32> to vector<1024x1xi32>
    %eq3A_151 = vector.broadcast %slice3A_150 : vector<1024x1xi32> to vector<1024x512xi32>
    %eq3A_152 = arith.cmpi eq, %eq3A_151, %add3A_11 : vector<1024x512xi32>
    %slice3A_153 = vector.extract_strided_slice %exp3A {offsets = [0, 14], sizes = [1024, 1], strides = [1, 1]} : vector<1024x16xf32> to vector<1024x1xf32>
    %jit3A_154 = arith.constant 0.000000e+00 : f32
    %broadcast_in_dim3A_155 = vector.shape_cast %slice3A_153 : vector<1024x1xf32> to vector<1024x1xf32>
    %broadcast_in_dim3A_156 = vector.broadcast %broadcast_in_dim3A_155 : vector<1024x1xf32> to vector<1024x512xf32>
    %broadcast_in_dim3A_157 = vector.broadcast %jit3A_154 : f32 to vector<1024x512xf32>
    %select_n3A_158 = arith.select %eq3A_152, %broadcast_in_dim3A_156, %broadcast_in_dim3A_157 : vector<1024x512xi1>, vector<1024x512xf32>
    %add3A_159 = arith.addf %add3A_149, %select_n3A_158 : vector<1024x512xf32>
    %slice3A_160 = vector.extract_strided_slice %transpose3A_9 {offsets = [0, 15], sizes = [1024, 1], strides = [1, 1]} : vector<1024x16xi32> to vector<1024x1xi32>
    %eq3A_161 = vector.broadcast %slice3A_160 : vector<1024x1xi32> to vector<1024x512xi32>
    %eq3A_162 = arith.cmpi eq, %eq3A_161, %add3A_11 : vector<1024x512xi32>
    %slice3A_163 = vector.extract_strided_slice %exp3A {offsets = [0, 15], sizes = [1024, 1], strides = [1, 1]} : vector<1024x16xf32> to vector<1024x1xf32>
    %jit3A_164 = arith.constant 0.000000e+00 : f32
    %broadcast_in_dim3A_165 = vector.shape_cast %slice3A_163 : vector<1024x1xf32> to vector<1024x1xf32>
    %broadcast_in_dim3A_166 = vector.broadcast %broadcast_in_dim3A_165 : vector<1024x1xf32> to vector<1024x512xf32>
    %broadcast_in_dim3A_167 = vector.broadcast %jit3A_164 : f32 to vector<1024x512xf32>
    %select_n3A_168 = arith.select %eq3A_162, %broadcast_in_dim3A_166, %broadcast_in_dim3A_167 : vector<1024x512xi1>, vector<1024x512xf32>
    %add3A_169 = arith.addf %add3A_159, %select_n3A_168 : vector<1024x512xf32>
    %get3A_170 = arith.constant 0 : index
    %get3A_171 = arith.constant 0 : index
    %get3A_172 = vector.load %arg4[%get3A_170, %get3A_171] : memref<1024x512xf32, #tpu.memory_space<vmem>>, vector<1024x512xf32>
    %add3A_173 = arith.addf %get3A_172, %add3A_169 : vector<1024x512xf32>
    %swap3A = arith.constant 0 : index
    %swap3A_174 = arith.constant 0 : index
    %swap3A_175 = vector.load %arg4[%swap3A, %swap3A_174] : memref<1024x512xf32, #tpu.memory_space<vmem>>, vector<1024x512xf32>
    tpu.vector_store %arg4[%swap3A, %swap3A_174], %add3A_173 {strides = array<i32>} : memref<1024x512xf32, #tpu.memory_space<vmem>>, vector<1024x512xf32>,
    return
  }
  func.func @transform_0(%arg0: i32, %arg1: i32) -> (i32, i32) {
    %c0_i32 = arith.constant 0 : i32
    %c0_i32_0 = arith.constant 0 : i32
    return %arg1, %c0_i32 : i32, i32
  }
  func.func @transform_1(%arg0: i32, %arg1: i32) -> (i32, i32) {
    %c0_i32 = arith.constant 0 : i32
    %c0_i32_0 = arith.constant 0 : i32
    return %arg1, %c0_i32 : i32, i32
  }
  func.func @transform_2(%arg0: i32, %arg1: i32) -> (i32, i32) {
    %c0_i32 = arith.constant 0 : i32
    %c0_i32_0 = arith.constant 0 : i32
    return %c0_i32, %arg0 : i32, i32
  }
}

</mosaic_0001>

<sc_bundles>
// kernel: gather_offload_async_start.1
scs
__scs_entry_jumppad:
0x0: {  	(pc) =	sbr.rel $0x88, $3  }
0x1: {  	(tag) =	ssettag $0x0;
	lr =	simm.s32 $0x1  }
0x2: {  	[smem:$0x3F9E] =	sst lr;
	_ =	strace $0xD0000000  }
0x3: {  	_ = 	snop  }
0x4: {  	_ = 	snop  }
0x5: {  	_ = 	snop  }
0x6: {  	_ = 	snop  }
0x7: {  	_ = 	snop  }
__scs_overlays_trampoline_lowered:
0x8: {  	[smem:$0x3FAD] =	sst s0  }
0x9: {  	[smem:$0x3FAE] =	sst s1  }
0xa: {  	[smem:$0x3FAF] =	sst s2  }
0xb: {  	[smem:$0x3FB0] =	sst s3  }
0xc: {  	[smem:$0x3FB1] =	sst s4  }
0xd: {  	[smem:$0x3FB2] =	sst s5  }
0xe: {  	[smem:$0x3FB3] =	sst s6  }
0xf: {  	[smem:$0x3FB4] =	sst s7  }
0x10: {  	[smem:$0x3FB5] =	sst s8  }
0x11: {  	[smem:$0x3FB6] =	sst s9;
	s0 =	simm.s32 @!p0 $0x0  }
0x12: {  	s1 =	sld [smem:$0x3F9C];
	s0 =	simm.s32 @p0 $0x1  }
0x13: {  	[smem:$0x3FB7] =	sst s0;
	s0 =	simm.s32 @!p1 $0x0  }
0x14: {  	s2 =	sld [smem:$0x3F9B];
	s0 =	simm.s32 @p1 $0x1  }
0x15: {  	[smem:$0x3FB8] =	sst s0;
	s0 =	simm.s32 @!p2 $0x0  }
0x16: {  	s3 =	sld [smem:$0x3FDB];
	s0 =	simm.s32 @p2 $0x1  }
0x17: {  	s4 =	simm.s32 $0x1BF5;
	[smem:$0x3FBA] =	sst s0  }
0x18: {  	s0 =	sld [smem:$0x3F9D];
	_ =	swait.ge [sflag:s4], $0x0  }
0x19: {  	s7 =	sld [smem:$0x3F9E]  }
0x1a: {  	s8 =	sadd.s32 $0xFFFFE003, lr  }
0x1b: {  	s9 =	sadd.s32 $0xFFFFFEF7, lr;
	s5 =	simm.s32 $0xFFFFFFFF;
	p2 =	slt.u32 s8, $0xFFFFF086  }
0x1c: {  	p1 =	slt.u32 s9, $0xF7A;
	s5 =	simm.s32 @!p2 $0x0  }
0x1d: {  	s5 =	simm.s32 @p1 $0x1;
	p0 =	seq.s32 s7, s2  }
0x1e: {  	s7 =	smul.u32 @!p0 $0xF7A, s2;
	p2 =	seq.s32 @!p0 s5, $0x0  }
0x1f: {  	s9 =	smul.u32 $0xF7A, s1;
	s8 =	simm.s32 @!p0 $0x1BF5;
	p2 =	por !p2, p0  }
0x20: {  	[sflag:s8] =	ssyncset.s32 @!p0 $0xFFFFF086;
	s6 =	sadd.s32 @!p0 s3, s7;
	s7 =	simm.s32 @!p0 $0x108  }
0x21: {  	s3 =	sadd.s32 s3, s9;
	s6 =	sadd.s32 @!p0 $0x88, s6;
	s7 =	simm.s32 @p2 $0x1082  }
0x22: {  	[simem:s7], [sflag:s8] =	dma.local @!p0 [hbm:s6], $0xF7A  }
0x23: {  	s9 =	sor.u32 $0xD0000000, s2;
	s6 =	simm.s32 $0x108;
	_ =	swait.ge @!p0 [sflag:s8], $0x0  }
0x24: {  	s3 =	sadd.s32 $0x88, s3;
	s6 =	simm.s32 @!p1 $0x1082;
	[sflag:s4] =	ssyncset.s32 $0xFFFFF086  }
0x25: {  	[simem:s6], [sflag:s4] =	dma.local [hbm:s3], $0xF7A  }
0x26: {  	[smem:$0x3F9E] =	sst s1;
	(tag) =	ssettag s2;
	_ =	strace s9  }
0x27: {  	s1 =	sld [smem:$0x3FAE]  }
0x28: {  	s2 =	sld [smem:$0x3FAF]  }
0x29: {  	s4 =	sld [smem:$0x3FB1]  }
0x2a: {  	p0 =	seq.s32 s5, $0x0;
	s5 =	sld [smem:$0x3FB2]  }
0x2b: {  	s6 =	sld [smem:$0x3FB3]  }
0x2c: {  	s7 =	sld [smem:$0x3FB4]  }
0x2d: {  	s3 =	simm.s32 $0x108;
	s8 =	sld [smem:$0x3FB5]  }
0x2e: {  	s3 =	simm.s32 @!p0 $0x1082;
	s9 =	sld [smem:$0x3FB6]  }
0x2f: {  	lr =	sadd.s32 s0, s3;
	s0 =	sld [smem:$0x3FAD]  }
0x30: {  	s3 =	sld [smem:$0x3FB0]  }
0x31: {  	[smem:$0x3FB9] =	sst s10  }
0x32: {  	s10 =	sld [smem:$0x3FB7];
	_ =	sdelay $0x3  }
0x33: {  	p0 =	seq.s32 s10, $0x1;
	s10 =	sld [smem:$0x3FB9];
	_ =	sdelay $0x3  }
0x34: {  	[smem:$0x3FB9] =	sst s10  }
0x35: {  	s10 =	sld [smem:$0x3FB8];
	_ =	sdelay $0x3  }
0x36: {  	p1 =	seq.s32 s10, $0x1;
	s10 =	sld [smem:$0x3FB9];
	_ =	sdelay $0x3  }
0x37: {  	[smem:$0x3FB9] =	sst s10  }
0x38: {  	s10 =	sld [smem:$0x3FBA]  }
0x39: {  	_ = 	snop;
	(pc) =	sbr.ind lr, $3  }
0x3a: {  	_ = 	snop  }
0x3b: {  	_ = 	snop  }
0x3c: {  	p2 =	seq.s32 s10, $0x1;
	s10 =	sld [smem:$0x3FB9]  }
0x3d: {  	_ =	shalt  }
0x3e: {  	_ =	shalt  }
0x3f: {  	_ =	shalt  }
0x40: {  	_ =	shalt  }
0x41: {  	_ =	shalt  }
0x42: {  	_ =	shalt  }
0x43: {  	_ =	shalt  }
0x44: {  	_ =	shalt  }
0x45: {  	_ =	shalt  }
0x46: {  	_ =	shalt  }
0x47: {  	_ =	shalt  }
0x48: {  	_ =	shalt  }
0x49: {  	_ =	shalt  }
0x4a: {  	_ =	shalt  }
0x4b: {  	_ =	shalt  }
0x4c: {  	_ =	shalt  }
0x4d: {  	_ =	shalt  }
0x4e: {  	_ =	shalt  }
0x4f: {  	_ =	shalt  }
0x50: {  	_ =	shalt  }
0x51: {  	_ =	shalt  }
0x52: {  	_ =	shalt  }
0x53: {  	_ =	shalt  }
0x54: {  	_ =	shalt  }
0x55: {  	_ =	shalt  }
0x56: {  	_ =	shalt  }
0x57: {  	_ =	shalt  }
0x58: {  	_ =	shalt  }
0x59: {  	_ =	shalt  }
0x5a: {  	_ =	shalt  }
0x5b: {  	_ =	shalt  }
0x5c: {  	_ =	shalt  }
0x5d: {  	_ =	shalt  }
0x5e: {  	_ =	shalt  }
0x5f: {  	_ =	shalt  }
0x60: {  	_ =	shalt  }
0x61: {  	_ =	shalt  }
0x62: {  	_ =	shalt  }
0x63: {  	_ =	shalt  }
0x64: {  	_ =	shalt  }
0x65: {  	_ =	shalt  }
0x66: {  	_ =	shalt  }
0x67: {  	_ =	shalt  }
0x68: {  	_ =	shalt  }
0x69: {  	_ =	shalt  }
0x6a: {  	_ =	shalt  }
0x6b: {  	_ =	shalt  }
0x6c: {  	_ =	shalt  }
0x6d: {  	_ =	shalt  }
0x6e: {  	_ =	shalt  }
0x6f: {  	_ =	shalt  }
0x70: {  	_ =	shalt  }
0x71: {  	_ =	shalt  }
0x72: {  	_ =	shalt  }
0x73: {  	_ =	shalt  }
0x74: {  	_ =	shalt  }
0x75: {  	_ =	shalt  }
0x76: {  	_ =	shalt  }
0x77: {  	_ =	shalt  }
0x78: {  	_ =	shalt  }
0x79: {  	_ =	shalt  }
0x7a: {  	_ =	shalt  }
0x7b: {  	_ =	shalt  }
0x7c: {  	_ =	shalt  }
0x7d: {  	_ =	shalt  }
0x7e: {  	_ =	shalt  }
0x7f: {  	_ =	shalt  }
0x80: {  	_ =	shalt  }
0x81: {  	_ =	shalt  }
0x82: {  	_ =	shalt  }
0x83: {  	_ =	shalt  }
0x84: {  	_ =	shalt  }
0x85: {  	_ =	shalt  }
0x86: {  	_ =	shalt  }
0x87: {  	_ =	shalt  }
.Lfunc_end0:
.L_simem_size_0:
called_computation.3_lowered:
.L_overlay_start_0:
0x88: {  	s2 =	sld [smem:$0x3FD9]  }
0x89: {  	s3 =	sld [smem:$0x3FFE];
	_ =	sdelay $0x1  }
0x8a: {  	s1 =	srdreg.scid  }
0x8b: {  	s0 =	sand.u32 $0x1, s1  }
0x8c: {  	s17 =	sshll.u32 s0, $0xA;
	s2 =	sadd.s32 s3, s2  }
0x8d: {  	s2 =	sadd.s32 s2, s17  }
0x8e: {  	[smem:$0x3FC5] =	sst s2  }
0x8f: {  	_ = 	snop  }
0x90: {  	s2 =	sld [smem:$0x3FD0];
	(tm) =	ssettm $0x1  }
0x91: {  	s18 =	sld [smem:$0x3FFB];
	_ =	sdelay $0x3  }
0x92: {  	_ =	strace s18  }
0x93: {  	s3 =	sld [smem:$0x3FFC];
	_ =	sdelay $0x3  }
0x94: {  	_ =	strace s3  }
0x95: {  	s3 =	sld [smem:$0x3FFD];
	_ =	sdelay $0x3  }
0x96: {  	_ =	strace s3  }
0x97: {  	_ =	strace $0x8FFFFFFF  }
0x98: {  	s19 =	sld [smem:$0x3FDB];
	_ =	sdelay $0x1  }
0x99: {  	s4 =	simm.s32 $_scs_section_size  }
0x9a: {  	s5 =	simm.s32 $_size__tile_overlayer_lowered;
	s6 =	simm.s32 $_tile_overlayer_lowered  }
0x9b: {  	s22 =	simm.s32 $0x1BFF;
	s21 =	sshll.u32 s6, $0x1;
	s3 =	sadd.s32 s4, s19  }
0x9c: {  	s7 =	simm.s32 $0x0;
	s20 =	sshll.u32 s5, $0x1;
	s5 =	sadd.s32 s21, s3  }
0x9d: {  	[timem:s7], [sflag:s22] =	dma.local [hbm:s5], s20  }
0x9e: {  	_ =	swait.ge [sflag:s22], s20  }
0x9f: {  	s4 =	ssub.s32 $0x0, s20;
	[sflag:s22] =	ssyncset.done $0x0  }
0xa0: {  	[sflag:s22] =	ssyncadd.s32 s4;
	_ =	sdelay $0x1  }
0xa1: {  	s23 =	simm.s32 $0x1B8B  }
0xa2: {  	_ =	swait.ge [sflag:s23], $0x1  }
0xa3: {  	[sflag:s23] =	ssyncset.done $0x0  }
0xa4: {  	s25 =	simm.s32 $0x1B8E;
	s24 =	sld [smem:$0x3FFE];
	[sflag:s23] =	ssyncadd.s32 $0xFFFFFFFF  }
0xa5: {  	s26 =	simm.s32 $execute0_lowered;
	[smem:$0x3FD2] =	sst s25  }
0xa6: {  	s5 =	sshll.u32 s26, $0x1;
	_ =	strace $0x8000004F;
	[dreg:$0x1] =	wrdreg $0xFFFFFFFF  }
0xa7: {  	s28 =	simm.s32 $_size_execute0_lowered;
	s3 =	sadd.s32 s3, s5;
	[dreg:$0x0] =	wrdreg $0x0  }
0xa8: {  	s5 =	sshll.u32 s28, $0x1;
	[dreg:$0x2] =	wrdreg s3  }
0xa9: {  	[dreg:$0x3] =	wrdreg s5  }
0xaa: {  	[dreg:$0x4] =	wrdreg $0xC0  }
0xab: {  	_ =	task [dreg:s7], $0x5FFFF  }
0xac: {  	[dreg:$0x1] =	wrdreg $0xFFFFFFFF  }
0xad: {  	[dreg:$0x0] =	wrdreg $0x60  }
0xae: {  	[dreg:$0x2] =	wrdreg s24  }
0xaf: {  	[dreg:$0x3] =	wrdreg s2  }
0xb0: {  	[dreg:$0x4] =	wrdreg $0x9  }
0xb1: {  	_ =	task.clear_ibuf [dreg:s7], $0x5FFFF;
	_ =	strace $0x9000004F  }
0xb2: {  	s29 =	simm.s32 $0x9;
	_ =	strace $0x80000051  }
0xb3: {  	_ =	swait.ge [sflag:s29], $0x1  }
0xb4: {  	[sflag:s29] =	ssyncadd.s32 $0xFFFFFFFF  }
0xb5: {  	_ =	strace $0x90000051  }
0xb6: {  	_ =	sfence  }
0xb7: {  	s30 =	sld [smem:$0x0];
	_ =	sdelay $0x2  }
0xb8: {  	s31 =	sshll.u32 s1, $0xD;
	s1 =	sshrl.u32 s1, $0x2  }
0xb9: {  	s3 =	sand.u32 $0x4000, s31;
	s1 =	sadd.s32 s1, s30  }
0xba: {  	s0 =	sor.u32 s3, s0;
	s1 =	sshll.u32 s1, $0x11  }
0xbb: {  	s0 =	sor.u32 s1, s0  }
0xbc: {  	s0 =	sadd.s32 $0x8F2B, s0  }
0xbd: {  	[sflag:s0] =	ssyncadd.remote.s32 $0x1  }
0xbe: {  	_ =	sfence.sel $0xFFFF  }
0xbf: {  	[dreg:$0x0] =	wrdreg $0xFFFFFFFF;
	(pc) =	sbr.abs _section_cstart, $3  }
0xc0: {  	[dreg:$0x1] =	wrdreg $0xFFFFFFFF  }
0xc1: {  	_ =	task.clear_ibuf [dreg:s7], $0x2FFFF;
	_ =	strace $0x9FFFFFFF  }
0xc2: {  	(tm) =	ssettm $0x7FFFFFFF  }
0xc3: {  	_ =	shalt  }
tec
execute0_lowered:
.L_overlay_start_1:
0x0: {  	(tag) =	ssettag $0x1  }
0x1: {  	s9 =	rddreg [dreg:$0x0]  }
0x2: {  	s0 =	srdreg.scid;
	s2 =	rddreg [dreg:$0x1]  }
0x3: {  	s1 =	stileid.u32;
	s5 =	simm.s32 $0x1;
	s6 =	simm.s32 $0x2  }
0x4: {  	s10 =	simm.s32 $0x3;
	s14 =	simm.s32 $0x0;
	s3 =	sshll.u32 s0, $0xB  }
0x5: {  	s13 =	simm.s32 $0x0;
	s4 =	sshll.u32 s1, $0xC;
	s3 =	sand.u32 $0x800, s3  }
0x6: {  	s0 =	rddreg [dreg:$0x2];
	_ =	strace $0x80000050;
	s3 =	sor.u32 s4, s3  }
0x7: {  	[sflag:s5] =	ssyncpa.u1 $0x0;
	s4 =	sadd.s32 $0x410000, s9;
	s7 =	ssub.s32 $0x40000, s3  }
.Ltmp0:
0x8: {  	[sflag:s6] =	ssyncpa.u1 $0x0;
	s8 =	sand.u32 $0xF800, s7;
	(pc) =	sbr.rel .LBB2_1-.Ltmp0, $4  }
0x9: {  	[sflag:s10] =	ssyncpa.u1 $0x0;
	p0 =	sne.s32 s8, $0x0;
	s8 =	simm.s32 $0x1  }
0xa: {  	s12 =	smov.u32 s3;
	s11 =	sshrl.u32 s7, $0x10;
	s8 =	simm.s32 @!p0 $0x0  }
0xb: {  	s7 =	sadd.s32 $0x9000, s9;
	s9 =	sadd.s32 $0x49000, s9;
	s8 =	sadd.s32 s8, s11  }
0xc: {  	vm0 =	vmmov $0xffff;
	v0 =	vlaneseq.u32;
	p0 =	por $0x0, $0x0;
	s11 =	simm.s32 $0x0;
	s10 =	sadd.s32 $0x1, s8  }
.LBB2_4:
0xd: {  	_ =	sdelay $0x1  }
0xe: {  	(ifvalue) =	ssetifvalue $0x7FFFFFFF  }
0xf: {  	s17 =	sshll.u32 s14, $0x3;
	(ifvalue) =	ssetifvalue $0x7FFFFFFF  }
0x10: {  	[tilespmem:s23], [sflag:$0x1] =	stream.indirect_vreg.gather [hbm4b:s4+s11], $0x1, v1, vm0, $0x4038;
	[tilespmem:$0x11000] =	vst v63  }
0x11: {  	s30 =	sand.u32 $0x78, s14;
	s17 =	sand.u32 $0xFFFFFC00, s17  }
0x12: {  	_ =	swait.ge [sflag:s5], $0x8000;
	s14 =	sor.u32 s30, s17  }
0x13: {  	[sflag:s5] =	ssyncset.done $0x0;
	s14 =	sshrl.u32 s14, $0x3  }
0x14: {  	[sflag:s5] =	ssyncadd.s32 $0xFFFF8000;
	s31 =	sadd.s32 s7, s14  }
0x15: {  	[hbm:s31] =	stream.linear.scatter [tilespmem:s16], [sflag:$0x3], $0x4000, $0x38;
	[tilespmem:$0x11000] =	vst v63  }
0x16: {  	s15 =	sadd.s32 $0x5000, s15;
	s14 =	sadd.s32 s14, s9  }
0x17: {  	[hbm:s14] =	stream.linear.scatter [tilespmem:s15], [sflag:$0x3], $0x4000, $0x38;
	[tilespmem:$0x11000] =	vst v63  }
.LBB2_5:
0x18: {  	s16 =	sadd.s32 $0x10000, s12  }
0x19: {  	p2 =	sgt.s32 s16, $0x3FFFF  }
0x1a: {  	s16 =	smov.u32 @p2 s3;
	p2 =	sne.s32 s13, s10  }
.Ltmp1:
0x1b: {  	p1 =	slt.u32 s13, $0x2;
	(pc) =	sbr.rel @!p2 .LBB2_6-.Ltmp1, $4  }
0x1c: {  	s15 =	simm.s32 @!p1 $0x3  }
0x1d: {  	s17 =	sadd.s32 $0x1, s13;
	_ =	swait.ge @!p1 [sflag:s15], $0x8000  }
0x1e: {  	s14 =	smov.u32 s12;
	p0 =	por !p0, !p0;
	[sflag:s15] =	ssyncset.done @!p1 $0x0  }
0x1f: {  	s13 =	smov.u32 s17;
	s12 =	smov.u32 s16;
	[sflag:s15] =	ssyncadd.s32 @!p1 $0xFFFF8000  }
.LBB2_1:
0x20: {  	p1 =	sge.u32 s13, s8  }
0x21: {  	s15 =	sxor.u32 @!p1 $0xFFFFFFFF, s13  }
0x22: {  	s31 =	sadd.s32 $0xFFFFFFFF, s13;
	s16 =	sshrl.u32 @!p1 s12, $0x3;
	s15 =	sshll.u32 @!p1 s15, $0xB  }
0x23: {  	s17 =	sand.u32 @!p1 $0x7, s12;
	s16 =	sadd.s32 @!p1 s2, s16;
	s15 =	sand.u32 @!p1 $0x800, s15  }
0x24: {  	[tilespmem:s15], [sflag:$0x2] =	stream.linear.gather @!p1 [hbm4b:s16+s17], $0x800, $0x38;
	[tilespmem:$0x11000] =	vst v63  }
0x25: {  	p1 =	sge.u32 s31, s8  }
.Ltmp2:
0x26: {  	_ = 	snop;
	(pc) =	sbr.rel @p1 .LBB2_5-.Ltmp2, $1  }
0x27: {  	_ =	sdelay $0x3  }
0x28: {  	s15 =	simm.s32 $0x1;
	_ =	swait.ge [sflag:s6], $0x800  }
0x29: {  	s15 =	simm.s32 @!p0 $0x0;
	[sflag:s6] =	ssyncset.done $0x0  }
0x2a: {  	s19 =	sshll.u32 s15, $0xB;
	[sflag:s6] =	ssyncadd.s32 $0xFFFFF800  }
0x2b: {  	v1 =	vld.msk [tilespmem:s19+$0x0 ss:$0x1], $0xffff;
	_ =	sdelay $0x3  }
0x2c: {  	s20 =	ssub.s32 $0x40000, s14  }
0x2d: {  	p1 =	slt.s32 s20, $0x800;
	v2 =	vshrl.u32 v1, $0xA  }
0x2e: {  	s20 =	simm.s32 @!p1 $0x800;
	vm1 =	veq.s32 v1, $0x80000000;
	v2 =	vand.u32 $0x7FF, v2  }
0x2f: {  	p1 =	sgt.s32 s20, $0x0;
	s15 =	smov.u32 s20;
	v1 =	vshll.u32 v1, $0xF;
	v2 =	vsel vm1, $0xFFFFFFFF, v2  }
0x30: {  	s15 =	simm.s32 @!p1 $0x0;
	v1 =	vand.u32 $0x1FF8000, v1;
	v3 =	vshll.u32 v2, $0x3  }
0x31: {  	s15 =	smin.u32 s15, $0x10;
	v1 =	vsel vm1, $0xFFFF8000, v1;
	v3 =	vand.u32 $0xFFFFFC00, v3  }
0x32: {  	v4 =	vmov s15;
	v2 =	vand.u32 $0x7F, v2;
	v1 =	vadd.s32 v1, v3  }
0x33: {  	vm1 =	vgt.u32 v4, v0;
	v1 =	vor.u32 v2, v1  }
0x34: {  	s26 =	sshll.u32 s13, $0xF;
	v2 =	vnsel vm1, $0x7FFFFFFF, v1  }
0x35: {  	s18 =	simm.s32 $0x0;
	s15 =	sand.u32 $0x8000, s26  }
0x36: {  	s17 =	simm.s32 $0x0;
	s18 =	sand.u32 $0x3C00, s18;
	s16 =	sor.u32 $0x1000, s15;
	v3 =	vor.u32 $0x80, v1  }
0x37: {  	s21 =	sand.u32 $0x70, s17;
	(ifvalue) =	ssetifvalue $0x7FFFFFFF;
	s18 =	sadd.s32 s18, s16;
	v3 =	vnsel vm1, $0x7FFFFFFF, v3  }
0x38: {  	(ifvalue) =	ssetifvalue $0x7FFFFFFF;
	s21 =	sadd.s32 s21, s18  }
0x39: {  	v51 =	vor.u32 $0x100, v1;
	[tilespmem:s21], [sflag:$0x1] =	stream.indirect_vreg.gather [hbm4b:s4+s11], $0x1, v2, vm0, $0x4038;
	[tilespmem:$0x11000] =	vst v63  }
0x3a: {  	v2 =	vnsel vm1, $0x7FFFFFFF, v51;
	(ifvalue) =	ssetifvalue $0x7FFFFFFF  }
0x3b: {  	s18 =	sadd.s32 $0x80, s21;
	(ifvalue) =	ssetifvalue $0x7FFFFFFF  }
0x3c: {  	v52 =	vor.u32 $0x180, v1;
	[tilespmem:s18], [sflag:$0x1] =	stream.indirect_vreg.gather [hbm4b:s4+s11], $0x1, v3, vm0, $0x4038;
	[tilespmem:$0x11000] =	vst v63  }
0x3d: {  	v3 =	vnsel vm1, $0x7FFFFFFF, v52;
	(ifvalue) =	ssetifvalue $0x7FFFFFFF  }
0x3e: {  	s28 =	sadd.s32 $0x100, s21;
	(ifvalue) =	ssetifvalue $0x7FFFFFFF  }
0x3f: {  	v53 =	vor.u32 $0x200, v1;
	[tilespmem:s28], [sflag:$0x1] =	stream.indirect_vreg.gather [hbm4b:s4+s11], $0x1, v2, vm0, $0x4038;
	[tilespmem:$0x11000] =	vst v63  }
0x40: {  	v2 =	vnsel vm1, $0x7FFFFFFF, v53;
	(ifvalue) =	ssetifvalue $0x7FFFFFFF  }
0x41: {  	s29 =	sadd.s32 $0x180, s21;
	(ifvalue) =	ssetifvalue $0x7FFFFFFF  }
0x42: {  	v54 =	vor.u32 $0x280, v1;
	[tilespmem:s29], [sflag:$0x1] =	stream.indirect_vreg.gather [hbm4b:s4+s11], $0x1, v3, vm0, $0x4038;
	[tilespmem:$0x11000] =	vst v63  }
0x43: {  	v3 =	vnsel vm1, $0x7FFFFFFF, v54;
	(ifvalue) =	ssetifvalue $0x7FFFFFFF  }
0x44: {  	s30 =	sadd.s32 $0x200, s21;
	(ifvalue) =	ssetifvalue $0x7FFFFFFF  }
0x45: {  	v55 =	vor.u32 $0x300, v1;
	[tilespmem:s30], [sflag:$0x1] =	stream.indirect_vreg.gather [hbm4b:s4+s11], $0x1, v2, vm0, $0x4038;
	[tilespmem:$0x11000] =	vst v63  }
0x46: {  	v2 =	vnsel vm1, $0x7FFFFFFF, v55;
	(ifvalue) =	ssetifvalue $0x7FFFFFFF  }
0x47: {  	s31 =	sand.u32 $0x7, s17;
	s22 =	sadd.s32 $0x280, s21;
	(ifvalue) =	ssetifvalue $0x7FFFFFFF  }
0x48: {  	v56 =	vor.u32 $0x380, v1;
	[tilespmem:s22], [sflag:$0x1] =	stream.indirect_vreg.gather [hbm4b:s4+s11], $0x1, v3, vm0, $0x4038;
	[tilespmem:$0x11000] =	vst v63  }
0x49: {  	s18 =	sshll.u32 s31, $0x4;
	v3 =	vnsel vm1, $0x7FFFFFFF, v56;
	(ifvalue) =	ssetifvalue $0x7FFFFFFF  }
0x4a: {  	s23 =	sadd.s32 $0x300, s21;
	s18 =	sadd.s32 $0x0, s18;
	(ifvalue) =	ssetifvalue $0x7FFFFFFF  }
0x4b: {  	v57 =	vadd.s32 $0x4000, v1;
	[tilespmem:s23], [sflag:$0x1] =	stream.indirect_vreg.gather [hbm4b:s4+s11], $0x1, v2, vm0, $0x4038;
	[tilespmem:$0x11000] =	vst v63  }
0x4c: {  	s18 =	sor.u32 $0x380, s18;
	v2 =	vnsel vm1, $0x7FFFFFFF, v57;
	(ifvalue) =	ssetifvalue $0x7FFFFFFF  }
0x4d: {  	s18 =	sadd.s32 s18, s16;
	(ifvalue) =	ssetifvalue $0x7FFFFFFF  }
0x4e: {  	v58 =	vadd.s32 $0x4080, v1;
	[tilespmem:s18], [sflag:$0x1] =	stream.indirect_vreg.gather [hbm4b:s4+s11], $0x1, v3, vm0, $0x4038;
	[tilespmem:$0x11000] =	vst v63  }
0x4f: {  	v3 =	vnsel vm1, $0x7FFFFFFF, v58;
	(ifvalue) =	ssetifvalue $0x7FFFFFFF  }
0x50: {  	s24 =	sadd.s32 $0x4000, s21;
	(ifvalue) =	ssetifvalue $0x7FFFFFFF  }
0x51: {  	v59 =	vadd.s32 $0x4100, v1;
	[tilespmem:s24], [sflag:$0x1] =	stream.indirect_vreg.gather [hbm4b:s4+s11], $0x1, v2, vm0, $0x4038;
	[tilespmem:$0x11000] =	vst v63  }
0x52: {  	v2 =	vnsel vm1, $0x7FFFFFFF, v59;
	(ifvalue) =	ssetifvalue $0x7FFFFFFF  }
0x53: {  	s25 =	sadd.s32 $0x4080, s21;
	(ifvalue) =	ssetifvalue $0x7FFFFFFF  }
0x54: {  	v60 =	vadd.s32 $0x4180, v1;
	[tilespmem:s25], [sflag:$0x1] =	stream.indirect_vreg.gather [hbm4b:s4+s11], $0x1, v3, vm0, $0x4038;
	[tilespmem:$0x11000] =	vst v63  }
0x55: {  	v3 =	vnsel vm1, $0x7FFFFFFF, v60;
	(ifvalue) =	ssetifvalue $0x7FFFFFFF  }
0x56: {  	s26 =	sadd.s32 $0x4100, s21;
	(ifvalue) =	ssetifvalue $0x7FFFFFFF  }
0x57: {  	v61 =	vadd.s32 $0x4200, v1;
	[tilespmem:s26], [sflag:$0x1] =	stream.indirect_vreg.gather [hbm4b:s4+s11], $0x1, v2, vm0, $0x4038;
	[tilespmem:$0x11000] =	vst v63  }
0x58: {  	v2 =	vnsel vm1, $0x7FFFFFFF, v61;
	(ifvalue) =	ssetifvalue $0x7FFFFFFF  }
0x59: {  	s28 =	sadd.s32 $0x4180, s21;
	(ifvalue) =	ssetifvalue $0x7FFFFFFF  }
0x5a: {  	v62 =	vadd.s32 $0x4280, v1;
	[tilespmem:s28], [sflag:$0x1] =	stream.indirect_vreg.gather [hbm4b:s4+s11], $0x1, v3, vm0, $0x4038;
	[tilespmem:$0x11000] =	vst v63  }
0x5b: {  	v3 =	vnsel vm1, $0x7FFFFFFF, v62;
	(ifvalue) =	ssetifvalue $0x7FFFFFFF  }
0x5c: {  	s29 =	sadd.s32 $0x4200, s21;
	(ifvalue) =	ssetifvalue $0x7FFFFFFF  }
0x5d: {  	v63 =	vadd.s32 $0x4300, v1;
	[tilespmem:s29], [sflag:$0x1] =	stream.indirect_vreg.gather [hbm4b:s4+s11], $0x1, v2, vm0, $0x4038;
	[tilespmem:$0x11000] =	vst v63  }
0x5e: {  	s19 =	sadd.s32 $0x10, s19;
	s20 =	sadd.s32 $0xFFFFFFF0, s20;
	v2 =	vnsel vm1, $0x7FFFFFFF, v63;
	(ifvalue) =	ssetifvalue $0x7FFFFFFF  }
0x5f: {  	s31 =	sadd.s32 $0x4300, s21;
	s30 =	sadd.s32 $0x4280, s21;
	(ifvalue) =	ssetifvalue $0x7FFFFFFF  }
0x60: {  	[tilespmem:s30], [sflag:$0x1] =	stream.indirect_vreg.gather [hbm4b:s4+s11], $0x1, v3, vm0, $0x4038;
	[tilespmem:$0x11000] =	vst v63  }
0x61: {  	v1 =	vadd.s32 $0x4380, v1;
	s22 =	simm.s32 $0x0;
	s23 =	sadd.s32 $0x4380, s21;
	(ifvalue) =	ssetifvalue $0x7FFFFFFF  }
0x62: {  	v1 =	vnsel vm1, $0x7FFFFFFF, v1;
	s21 =	simm.s32 $0xFFFFC080;
	s18 =	simm.s32 $0x10;
	(ifvalue) =	ssetifvalue $0x7FFFFFFF  }
0x63: {  	[tilespmem:s31], [sflag:$0x1] =	stream.indirect_vreg.gather [hbm4b:s4+s11], $0x1, v2, vm0, $0x4038;
	[tilespmem:$0x11000] =	vst v63  }
.LBB2_3:
0x64: {  	(ifvalue) =	ssetifvalue $0x7FFFFFFF  }
0x65: {  	s17 =	sadd.s32 $0x80, s17;
	s22 =	sadd.s32 $0x1, s22;
	s24 =	smov.u32 s18  }
0x66: {  	p1 =	sne.s32 s18, $0x7F0;
	s18 =	sadd.s32 $0x10, s18;
	(ifvalue) =	ssetifvalue $0x7FFFFFFF  }
0x67: {  	[tilespmem:s23], [sflag:$0x1] =	stream.indirect_vreg.gather [hbm4b:s4+s11], $0x1, v1, vm0, $0x4038;
	[tilespmem:$0x11000] =	vst v63  }
0x68: {  	v1 =	vld.msk [tilespmem:s19+$0x0 ss:$0x1], $0xffff;
	_ =	sdelay $0x5  }
0x69: {  	p2 =	sgt.s32 s20, $0x0;
	s23 =	smov.u32 s20;
	v2 =	vshrl.u32 v1, $0xA;
	v3 =	vshll.u32 v1, $0xF  }
0x6a: {  	s23 =	simm.s32 @!p2 $0x0;
	vm1 =	veq.s32 v1, $0x80000000;
	v1 =	vand.u32 $0x7FF, v2;
	v2 =	vand.u32 $0x1FF8000, v3  }
0x6b: {  	s23 =	smin.u32 s23, $0x10;
	v1 =	vsel vm1, $0xFFFFFFFF, v1;
	v2 =	vsel vm1, $0xFFFF8000, v2  }
0x6c: {  	v4 =	vmov s23;
	v3 =	vand.u32 $0x7F, v1;
	v1 =	vshll.u32 v1, $0x3  }
0x6d: {  	vm1 =	vgt.u32 v4, v0;
	v1 =	vand.u32 $0xFFFFFC00, v1  }
0x6e: {  	v1 =	vadd.s32 v2, v1  }
0x6f: {  	s23 =	sadd.s32 $0x4000, s21;
	v1 =	vor.u32 v3, v1  }
0x70: {  	s23 =	sand.u32 $0x3C00, s23;
	v2 =	vnsel vm1, $0x7FFFFFFF, v1;
	v3 =	vor.u32 $0x80, v1;
	v4 =	vor.u32 $0x100, v1  }
0x71: {  	s24 =	sand.u32 $0x70, s24;
	s23 =	sadd.s32 s23, s16;
	v5 =	vor.u32 $0x180, v1;
	v3 =	vnsel vm1, $0x7FFFFFFF, v3;
	v4 =	vnsel vm1, $0x7FFFFFFF, v4;
	(ifvalue) =	ssetifvalue $0x7FFFFFFF  }
0x72: {  	s23 =	sadd.s32 s24, s23;
	v6 =	vor.u32 $0x200, v1;
	v7 =	vor.u32 $0x280, v1;
	v5 =	vnsel vm1, $0x7FFFFFFF, v5;
	(ifvalue) =	ssetifvalue $0x7FFFFFFF  }
0x73: {  	v8 =	vor.u32 $0x300, v1;
	v6 =	vnsel vm1, $0x7FFFFFFF, v6;
	v7 =	vnsel vm1, $0x7FFFFFFF, v7  }
0x74: {  	v9 =	vor.u32 $0x380, v1;
	v10 =	vadd.s32 $0x4000, v1;
	v8 =	vnsel vm1, $0x7FFFFFFF, v8  }
0x75: {  	[tilespmem:s23], [sflag:$0x1] =	stream.indirect_vreg.gather [hbm4b:s4+s11], $0x1, v2, vm0, $0x4038;
	v2 =	vnsel vm1, $0x7FFFFFFF, v9;
	v9 =	vnsel vm1, $0x7FFFFFFF, v10;
	v10 =	vadd.s32 $0x4080, v1;
	[tilespmem:$0x11000] =	vst v63  }
0x76: {  	v11 =	vadd.s32 $0x4100, v1;
	v12 =	vadd.s32 $0x4180, v1;
	(ifvalue) =	ssetifvalue $0x7FFFFFFF;
	v10 =	vnsel vm1, $0x7FFFFFFF, v10  }
0x77: {  	s24 =	sadd.s32 $0x80, s23;
	v13 =	vadd.s32 $0x4200, v1;
	v11 =	vnsel vm1, $0x7FFFFFFF, v11;
	v12 =	vnsel vm1, $0x7FFFFFFF, v12;
	(ifvalue) =	ssetifvalue $0x7FFFFFFF  }
0x78: {  	v14 =	vadd.s32 $0x4300, v1;
	[tilespmem:s24], [sflag:$0x1] =	stream.indirect_vreg.gather [hbm4b:s4+s11], $0x1, v3, vm0, $0x4038;
	v3 =	vnsel vm1, $0x7FFFFFFF, v13;
	v13 =	vadd.s32 $0x4280, v1;
	[tilespmem:$0x11000] =	vst v63  }
0x79: {  	v14 =	vnsel vm1, $0x7FFFFFFF, v14;
	v1 =	vadd.s32 $0x4380, v1;
	(ifvalue) =	ssetifvalue $0x7FFFFFFF;
	v13 =	vnsel vm1, $0x7FFFFFFF, v13  }
0x7a: {  	s24 =	sadd.s32 $0x100, s23;
	v1 =	vnsel vm1, $0x7FFFFFFF, v1;
	(ifvalue) =	ssetifvalue $0x7FFFFFFF  }
0x7b: {  	[tilespmem:s24], [sflag:$0x1] =	stream.indirect_vreg.gather [hbm4b:s4+s11], $0x1, v4, vm0, $0x4038;
	[tilespmem:$0x11000] =	vst v63  }
0x7c: {  	(ifvalue) =	ssetifvalue $0x7FFFFFFF  }
0x7d: {  	s24 =	sadd.s32 $0x180, s23;
	(ifvalue) =	ssetifvalue $0x7FFFFFFF  }
0x7e: {  	[tilespmem:s24], [sflag:$0x1] =	stream.indirect_vreg.gather [hbm4b:s4+s11], $0x1, v5, vm0, $0x4038;
	[tilespmem:$0x11000] =	vst v63  }
0x7f: {  	(ifvalue) =	ssetifvalue $0x7FFFFFFF  }
0x80: {  	s24 =	sadd.s32 $0x200, s23;
	(ifvalue) =	ssetifvalue $0x7FFFFFFF  }
0x81: {  	[tilespmem:s24], [sflag:$0x1] =	stream.indirect_vreg.gather [hbm4b:s4+s11], $0x1, v6, vm0, $0x4038;
	[tilespmem:$0x11000] =	vst v63  }
0x82: {  	(ifvalue) =	ssetifvalue $0x7FFFFFFF  }
0x83: {  	s25 =	sadd.s32 $0x280, s23;
	s24 =	sand.u32 $0x7, s22;
	(ifvalue) =	ssetifvalue $0x7FFFFFFF  }
0x84: {  	[tilespmem:s25], [sflag:$0x1] =	stream.indirect_vreg.gather [hbm4b:s4+s11], $0x1, v7, vm0, $0x4038;
	[tilespmem:$0x11000] =	vst v63  }
0x85: {  	s24 =	sshll.u32 s24, $0x4;
	(ifvalue) =	ssetifvalue $0x7FFFFFFF  }
0x86: {  	s24 =	sadd.s32 s24, s17;
	s25 =	sadd.s32 $0x300, s23;
	(ifvalue) =	ssetifvalue $0x7FFFFFFF  }
0x87: {  	[tilespmem:s25], [sflag:$0x1] =	stream.indirect_vreg.gather [hbm4b:s4+s11], $0x1, v8, vm0, $0x4038;
	[tilespmem:$0x11000] =	vst v63  }
0x88: {  	s24 =	sor.u32 $0x380, s24;
	(ifvalue) =	ssetifvalue $0x7FFFFFFF  }
0x89: {  	s24 =	sadd.s32 s24, s16;
	(ifvalue) =	ssetifvalue $0x7FFFFFFF  }
0x8a: {  	[tilespmem:s24], [sflag:$0x1] =	stream.indirect_vreg.gather [hbm4b:s4+s11], $0x1, v2, vm0, $0x4038;
	[tilespmem:$0x11000] =	vst v63  }
0x8b: {  	(ifvalue) =	ssetifvalue $0x7FFFFFFF  }
0x8c: {  	s24 =	sadd.s32 $0x4000, s23;
	(ifvalue) =	ssetifvalue $0x7FFFFFFF  }
0x8d: {  	[tilespmem:s24], [sflag:$0x1] =	stream.indirect_vreg.gather [hbm4b:s4+s11], $0x1, v9, vm0, $0x4038;
	[tilespmem:$0x11000] =	vst v63  }
0x8e: {  	(ifvalue) =	ssetifvalue $0x7FFFFFFF  }
0x8f: {  	s25 =	sadd.s32 $0x4100, s23;
	s24 =	sadd.s32 $0x4080, s23;
	(ifvalue) =	ssetifvalue $0x7FFFFFFF  }
0x90: {  	[tilespmem:s24], [sflag:$0x1] =	stream.indirect_vreg.gather [hbm4b:s4+s11], $0x1, v10, vm0, $0x4038;
	[tilespmem:$0x11000] =	vst v63  }
0x91: {  	(ifvalue) =	ssetifvalue $0x7FFFFFFF  }
0x92: {  	(ifvalue) =	ssetifvalue $0x7FFFFFFF  }
0x93: {  	[tilespmem:s25], [sflag:$0x1] =	stream.indirect_vreg.gather [hbm4b:s4+s11], $0x1, v11, vm0, $0x4038;
	[tilespmem:$0x11000] =	vst v63  }
0x94: {  	(ifvalue) =	ssetifvalue $0x7FFFFFFF  }
0x95: {  	s24 =	sadd.s32 $0x4180, s23;
	s25 =	sadd.s32 $0x4200, s23;
	(ifvalue) =	ssetifvalue $0x7FFFFFFF  }
0x96: {  	[tilespmem:s24], [sflag:$0x1] =	stream.indirect_vreg.gather [hbm4b:s4+s11], $0x1, v12, vm0, $0x4038;
	[tilespmem:$0x11000] =	vst v63  }
0x97: {  	(ifvalue) =	ssetifvalue $0x7FFFFFFF  }
0x98: {  	s24 =	sadd.s32 $0x4280, s23;
	(ifvalue) =	ssetifvalue $0x7FFFFFFF  }
0x99: {  	[tilespmem:s25], [sflag:$0x1] =	stream.indirect_vreg.gather [hbm4b:s4+s11], $0x1, v3, vm0, $0x4038;
	[tilespmem:$0x11000] =	vst v63  }
0x9a: {  	(ifvalue) =	ssetifvalue $0x7FFFFFFF  }
.Ltmp3:
0x9b: {  	s25 =	sadd.s32 $0x4300, s23;
	(ifvalue) =	ssetifvalue $0x7FFFFFFF;
	(pc) =	sbr.rel @p1 .LBB2_3-.Ltmp3, $4  }
0x9c: {  	[tilespmem:s24], [sflag:$0x1] =	stream.indirect_vreg.gather [hbm4b:s4+s11], $0x1, v13, vm0, $0x4038;
	[tilespmem:$0x11000] =	vst v63  }
0x9d: {  	s20 =	sadd.s32 $0xFFFFFFF0, s20;
	s19 =	sadd.s32 $0x10, s19;
	(ifvalue) =	ssetifvalue $0x7FFFFFFF  }
0x9e: {  	s21 =	sadd.s32 $0x80, s21;
	s23 =	sadd.s32 $0x4380, s23;
	(ifvalue) =	ssetifvalue $0x7FFFFFFF  }
0x9f: {  	[tilespmem:s25], [sflag:$0x1] =	stream.indirect_vreg.gather [hbm4b:s4+s11], $0x1, v14, vm0, $0x4038;
	[tilespmem:$0x11000] =	vst v63  }
.Ltmp4:
0xa0: {  	_ = 	snop;
	(pc) =	sbr.rel .LBB2_4-.Ltmp4, $1  }
0xa1: {  	_ =	sdelay $0x3  }
.LBB2_6:
0xa2: {  	_ =	sfence.sel $0x180000  }
0xa3: {  	s2 =	simm.s32 $0x2;
	[bflag:$0x0] =	sbarrier.arrive $0xFFFF  }
0xa4: {  	s30 =	simm.s32 $0x3;
	[sflag:s2] =	ssyncpa.u1 $0x1  }
0xa5: {  	s31 =	simm.s32 $0x1;
	[sflag:s30] =	ssyncpa.u1 $0x1  }
0xa6: {  	[sflag:s31] =	ssyncpa.u1 $0x1  }
0xa7: {  	p0 =	sne.s32 s1, $0x0;
	_ =	strace $0x90000050  }
0xa8: {  	s0 =	sadd.s32 @!p0 $0x100000, s0;
	[bflag:$0x2] =	sbarrier.arrive $0xFFFF  }
0xa9: {  	[sflag:s0] =	ssyncadd.tile.s32 @!p0 $0x1;
	_ =	shalt  }
.Lfunc_end2:
_tile_overlayer_lowered:
.L_overlay_start_2:
0xaa: {  	(tag) =	ssettag $0x2  }
0xab: {  	s0 =	rddreg [dreg:$0x0];
	s2 =	stileid.u32  }
0xac: {  	s1 =	rddreg [dreg:$0x1];
	p0 =	sne.s32 s2, $0x0  }
0xad: {  	s3 =	rddreg [dreg:$0x2];
	[bflag:$0x3] =	sbarrier.arrive $0xFFFF;
	s2 =	simm.s32 @!p0 $0x1C01  }
0xae: {  	[timem:s3], [sflag:s2] =	dma.local @!p0 [hbm:s0], s1  }
0xaf: {  	s0 =	simm.s32 @!p0 $0x1  }
0xb0: {  	_ =	swait.ge @!p0 [sflag:s0], s1  }
0xb1: {  	s1 =	ssub.s32 @!p0 $0x0, s1;
	[sflag:s0] =	ssyncset.done @!p0 $0x0  }
0xb2: {  	[sflag:s0] =	ssyncadd.s32 @!p0 s1  }
0xb3: {  	[bflag:$0x3] =	sbarrier.arrive $0xFFFF  }
0xb4: {  	_ =	shalt  }

// kernel: gather_offload_async_start.2
scs
__scs_entry_jumppad:
0x0: {  	(pc) =	sbr.rel $0x88, $3  }
0x1: {  	(tag) =	ssettag $0x0;
	lr =	simm.s32 $0x1  }
0x2: {  	[smem:$0x3F9E] =	sst lr;
	_ =	strace $0xD0000000  }
0x3: {  	_ = 	snop  }
0x4: {  	_ = 	snop  }
0x5: {  	_ = 	snop  }
0x6: {  	_ = 	snop  }
0x7: {  	_ = 	snop  }
__scs_overlays_trampoline_lowered:
0x8: {  	[smem:$0x3FAD] =	sst s0  }
0x9: {  	[smem:$0x3FAE] =	sst s1  }
0xa: {  	[smem:$0x3FAF] =	sst s2  }
0xb: {  	[smem:$0x3FB0] =	sst s3  }
0xc: {  	[smem:$0x3FB1] =	sst s4  }
0xd: {  	[smem:$0x3FB2] =	sst s5  }
0xe: {  	[smem:$0x3FB3] =	sst s6  }
0xf: {  	[smem:$0x3FB4] =	sst s7  }
0x10: {  	[smem:$0x3FB5] =	sst s8  }
0x11: {  	[smem:$0x3FB6] =	sst s9;
	s0 =	simm.s32 @!p0 $0x0  }
0x12: {  	s1 =	sld [smem:$0x3F9C];
	s0 =	simm.s32 @p0 $0x1  }
0x13: {  	[smem:$0x3FB7] =	sst s0;
	s0 =	simm.s32 @!p1 $0x0  }
0x14: {  	s2 =	sld [smem:$0x3F9B];
	s0 =	simm.s32 @p1 $0x1  }
0x15: {  	[smem:$0x3FB8] =	sst s0;
	s0 =	simm.s32 @!p2 $0x0  }
0x16: {  	s3 =	sld [smem:$0x3FDB];
	s0 =	simm.s32 @p2 $0x1  }
0x17: {  	s4 =	simm.s32 $0x1BF5;
	[smem:$0x3FBA] =	sst s0  }
0x18: {  	s0 =	sld [smem:$0x3F9D];
	_ =	swait.ge [sflag:s4], $0x0  }
0x19: {  	s7 =	sld [smem:$0x3F9E]  }
0x1a: {  	s8 =	sadd.s32 $0xFFFFE003, lr  }
0x1b: {  	s9 =	sadd.s32 $0xFFFFFEF7, lr;
	s5 =	simm.s32 $0xFFFFFFFF;
	p2 =	slt.u32 s8, $0xFFFFF086  }
0x1c: {  	p1 =	slt.u32 s9, $0xF7A;
	s5 =	simm.s32 @!p2 $0x0  }
0x1d: {  	s5 =	simm.s32 @p1 $0x1;
	p0 =	seq.s32 s7, s2  }
0x1e: {  	s7 =	smul.u32 @!p0 $0xF7A, s2;
	p2 =	seq.s32 @!p0 s5, $0x0  }
0x1f: {  	s9 =	smul.u32 $0xF7A, s1;
	s8 =	simm.s32 @!p0 $0x1BF5;
	p2 =	por !p2, p0  }
0x20: {  	[sflag:s8] =	ssyncset.s32 @!p0 $0xFFFFF086;
	s6 =	sadd.s32 @!p0 s3, s7;
	s7 =	simm.s32 @!p0 $0x108  }
0x21: {  	s3 =	sadd.s32 s3, s9;
	s6 =	sadd.s32 @!p0 $0x88, s6;
	s7 =	simm.s32 @p2 $0x1082  }
0x22: {  	[simem:s7], [sflag:s8] =	dma.local @!p0 [hbm:s6], $0xF7A  }
0x23: {  	s9 =	sor.u32 $0xD0000000, s2;
	s6 =	simm.s32 $0x108;
	_ =	swait.ge @!p0 [sflag:s8], $0x0  }
0x24: {  	s3 =	sadd.s32 $0x88, s3;
	s6 =	simm.s32 @!p1 $0x1082;
	[sflag:s4] =	ssyncset.s32 $0xFFFFF086  }
0x25: {  	[simem:s6], [sflag:s4] =	dma.local [hbm:s3], $0xF7A  }
0x26: {  	[smem:$0x3F9E] =	sst s1;
	(tag) =	ssettag s2;
	_ =	strace s9  }
0x27: {  	s1 =	sld [smem:$0x3FAE]  }
0x28: {  	s2 =	sld [smem:$0x3FAF]  }
0x29: {  	s4 =	sld [smem:$0x3FB1]  }
0x2a: {  	p0 =	seq.s32 s5, $0x0;
	s5 =	sld [smem:$0x3FB2]  }
0x2b: {  	s6 =	sld [smem:$0x3FB3]  }
0x2c: {  	s7 =	sld [smem:$0x3FB4]  }
0x2d: {  	s3 =	simm.s32 $0x108;
	s8 =	sld [smem:$0x3FB5]  }
0x2e: {  	s3 =	simm.s32 @!p0 $0x1082;
	s9 =	sld [smem:$0x3FB6]  }
0x2f: {  	lr =	sadd.s32 s0, s3;
	s0 =	sld [smem:$0x3FAD]  }
0x30: {  	s3 =	sld [smem:$0x3FB0]  }
0x31: {  	[smem:$0x3FB9] =	sst s10  }
0x32: {  	s10 =	sld [smem:$0x3FB7];
	_ =	sdelay $0x3  }
0x33: {  	p0 =	seq.s32 s10, $0x1;
	s10 =	sld [smem:$0x3FB9];
	_ =	sdelay $0x3  }
0x34: {  	[smem:$0x3FB9] =	sst s10  }
0x35: {  	s10 =	sld [smem:$0x3FB8];
	_ =	sdelay $0x3  }
0x36: {  	p1 =	seq.s32 s10, $0x1;
	s10 =	sld [smem:$0x3FB9];
	_ =	sdelay $0x3  }
0x37: {  	[smem:$0x3FB9] =	sst s10  }
0x38: {  	s10 =	sld [smem:$0x3FBA]  }
0x39: {  	_ = 	snop;
	(pc) =	sbr.ind lr, $3  }
0x3a: {  	_ = 	snop  }
0x3b: {  	_ = 	snop  }
0x3c: {  	p2 =	seq.s32 s10, $0x1;
	s10 =	sld [smem:$0x3FB9]  }
0x3d: {  	_ =	shalt  }
0x3e: {  	_ =	shalt  }
0x3f: {  	_ =	shalt  }
0x40: {  	_ =	shalt  }
0x41: {  	_ =	shalt  }
0x42: {  	_ =	shalt  }
0x43: {  	_ =	shalt  }
0x44: {  	_ =	shalt  }
0x45: {  	_ =	shalt  }
0x46: {  	_ =	shalt  }
0x47: {  	_ =	shalt  }
0x48: {  	_ =	shalt  }
0x49: {  	_ =	shalt  }
0x4a: {  	_ =	shalt  }
0x4b: {  	_ =	shalt  }
0x4c: {  	_ =	shalt  }
0x4d: {  	_ =	shalt  }
0x4e: {  	_ =	shalt  }
0x4f: {  	_ =	shalt  }
0x50: {  	_ =	shalt  }
0x51: {  	_ =	shalt  }
0x52: {  	_ =	shalt  }
0x53: {  	_ =	shalt  }
0x54: {  	_ =	shalt  }
0x55: {  	_ =	shalt  }
0x56: {  	_ =	shalt  }
0x57: {  	_ =	shalt  }
0x58: {  	_ =	shalt  }
0x59: {  	_ =	shalt  }
0x5a: {  	_ =	shalt  }
0x5b: {  	_ =	shalt  }
0x5c: {  	_ =	shalt  }
0x5d: {  	_ =	shalt  }
0x5e: {  	_ =	shalt  }
0x5f: {  	_ =	shalt  }
0x60: {  	_ =	shalt  }
0x61: {  	_ =	shalt  }
0x62: {  	_ =	shalt  }
0x63: {  	_ =	shalt  }
0x64: {  	_ =	shalt  }
0x65: {  	_ =	shalt  }
0x66: {  	_ =	shalt  }
0x67: {  	_ =	shalt  }
0x68: {  	_ =	shalt  }
0x69: {  	_ =	shalt  }
0x6a: {  	_ =	shalt  }
0x6b: {  	_ =	shalt  }
0x6c: {  	_ =	shalt  }
0x6d: {  	_ =	shalt  }
0x6e: {  	_ =	shalt  }
0x6f: {  	_ =	shalt  }
0x70: {  	_ =	shalt  }
0x71: {  	_ =	shalt  }
0x72: {  	_ =	shalt  }
0x73: {  	_ =	shalt  }
0x74: {  	_ =	shalt  }
0x75: {  	_ =	shalt  }
0x76: {  	_ =	shalt  }
0x77: {  	_ =	shalt  }
0x78: {  	_ =	shalt  }
0x79: {  	_ =	shalt  }
0x7a: {  	_ =	shalt  }
0x7b: {  	_ =	shalt  }
0x7c: {  	_ =	shalt  }
0x7d: {  	_ =	shalt  }
0x7e: {  	_ =	shalt  }
0x7f: {  	_ =	shalt  }
0x80: {  	_ =	shalt  }
0x81: {  	_ =	shalt  }
0x82: {  	_ =	shalt  }
0x83: {  	_ =	shalt  }
0x84: {  	_ =	shalt  }
0x85: {  	_ =	shalt  }
0x86: {  	_ =	shalt  }
0x87: {  	_ =	shalt  }
.Lfunc_end0:
.L_simem_size_0:
called_computation.4_lowered:
.L_overlay_start_0:
0x88: {  	s2 =	sld [smem:$0x3FD9]  }
0x89: {  	s3 =	sld [smem:$0x3FFE];
	_ =	sdelay $0x1  }
0x8a: {  	s1 =	srdreg.scid  }
0x8b: {  	s0 =	sand.u32 $0x1, s1  }
0x8c: {  	s17 =	sshll.u32 s0, $0xA;
	s2 =	sadd.s32 s3, s2  }
0x8d: {  	s2 =	sadd.s32 s2, s17  }
0x8e: {  	[smem:$0x3FC5] =	sst s2  }
0x8f: {  	_ = 	snop  }
0x90: {  	s18 =	sld [smem:$0x3FD0];
	(tm) =	ssettm $0x1  }
0x91: {  	s19 =	sld [smem:$0x3FFB];
	_ =	sdelay $0x3  }
0x92: {  	_ =	strace s19  }
0x93: {  	s2 =	sld [smem:$0x3FFC];
	_ =	sdelay $0x3  }
0x94: {  	_ =	strace s2  }
0x95: {  	s2 =	sld [smem:$0x3FFD];
	_ =	sdelay $0x3  }
0x96: {  	_ =	strace s2  }
0x97: {  	_ =	strace $0x8FFFFFFF  }
0x98: {  	s20 =	sld [smem:$0x3FDB];
	_ =	sdelay $0x1  }
0x99: {  	s4 =	simm.s32 $_scs_section_size  }
0x9a: {  	s5 =	simm.s32 $_size__tile_overlayer_lowered;
	s6 =	simm.s32 $_tile_overlayer_lowered  }
0x9b: {  	s7 =	simm.s32 $0x1BFF;
	s21 =	sshll.u32 s6, $0x1;
	s4 =	sadd.s32 s4, s20  }
0x9c: {  	s22 =	simm.s32 $0x0;
	s5 =	sshll.u32 s5, $0x1;
	s6 =	sadd.s32 s21, s4  }
0x9d: {  	[timem:s22], [sflag:s7] =	dma.local [hbm:s6], s5  }
0x9e: {  	_ =	swait.ge [sflag:s7], s5  }
0x9f: {  	s5 =	ssub.s32 $0x0, s5;
	[sflag:s7] =	ssyncset.done $0x0  }
0xa0: {  	[sflag:s7] =	ssyncadd.s32 s5;
	_ =	sdelay $0x1  }
0xa1: {  	s23 =	simm.s32 $0x1B8B  }
0xa2: {  	_ =	swait.ge [sflag:s23], $0x1  }
0xa3: {  	[sflag:s23] =	ssyncset.done $0x0  }
0xa4: {  	[sflag:s23] =	ssyncadd.s32 $0xFFFFFFFF  }
0xa5: {  	s5 =	sld [smem:$0x0]  }
0xa6: {  	s6 =	sand.u32 $0xFFFFFFFE, s1  }
0xa7: {  	p0 =	sne.s32 s1, s6  }
0xa8: {  	s6 =	sshll.u32 @p0 s6, $0xE  }
0xa9: {  	s6 =	sadd.s32 @p0 $0x11B8D, s6;
	s7 =	sshll.u32 @p0 s5, $0x11  }
0xaa: {  	s6 =	sor.u32 @p0 s7, s6  }
0xab: {  	[sflag:s6] =	ssyncadd.remote.s32 @p0 $0x1;
	_ =	sdelay $0x1  }
0xac: {  	s6 =	simm.s32 @p0 $0x1B8D  }
0xad: {  	_ =	swait.eq @p0 [sflag:s6], $0x1  }
0xae: {  	[sflag:s6] =	ssyncadd.s32 @p0 $0xFFFFFFFF  }
0xaf: {  	s7 =	sshll.u32 @!p0 s1, $0xE  }
0xb0: {  	s7 =	sor.u32 @!p0 $0x4000, s7;
	s6 =	simm.s32 @!p0 $0x1B8D  }
0xb1: {  	s5 =	sshll.u32 @!p0 s5, $0x11;
	s7 =	sadd.s32 @!p0 $0x11B8D, s7;
	_ =	swait.eq @!p0 [sflag:s6], $0x1  }
0xb2: {  	s5 =	sor.u32 @!p0 s5, s7;
	[sflag:s6] =	ssyncadd.s32 @!p0 $0xFFFFFFFF  }
0xb3: {  	s25 =	simm.s32 $0x1B8E;
	s24 =	sld [smem:$0x3FFE];
	[sflag:s5] =	ssyncadd.remote.s32 @!p0 $0x1  }
0xb4: {  	s26 =	simm.s32 $execute0_lowered;
	[smem:$0x3FD2] =	sst s25  }
0xb5: {  	s6 =	sshll.u32 s26, $0x1;
	_ =	strace $0x80000052;
	[dreg:$0x1] =	wrdreg $0xFFFFFFFF  }
0xb6: {  	s28 =	simm.s32 $_size_execute0_lowered;
	s4 =	sadd.s32 s4, s6;
	[dreg:$0x0] =	wrdreg $0x0  }
0xb7: {  	s6 =	sshll.u32 s28, $0x1;
	[dreg:$0x2] =	wrdreg s4  }
0xb8: {  	[dreg:$0x3] =	wrdreg s6  }
0xb9: {  	[dreg:$0x4] =	wrdreg $0xC0  }
0xba: {  	_ =	task [dreg:s22], $0x5FFFF  }
0xbb: {  	[dreg:$0x1] =	wrdreg $0xFFFFFFFF  }
0xbc: {  	[dreg:$0x0] =	wrdreg $0x60  }
0xbd: {  	[dreg:$0x2] =	wrdreg s24  }
0xbe: {  	[dreg:$0x3] =	wrdreg s18  }
0xbf: {  	[dreg:$0x4] =	wrdreg $0xA  }
0xc0: {  	_ =	task.clear_ibuf [dreg:s22], $0x5FFFF;
	_ =	strace $0x90000052  }
0xc1: {  	s29 =	simm.s32 $0xA;
	_ =	strace $0x80000054  }
0xc2: {  	_ =	swait.ge [sflag:s29], $0x1  }
0xc3: {  	[sflag:s29] =	ssyncadd.s32 $0xFFFFFFFF  }
0xc4: {  	_ =	strace $0x90000054  }
0xc5: {  	_ =	sfence  }
0xc6: {  	s30 =	sld [smem:$0x0];
	_ =	sdelay $0x2  }
0xc7: {  	s31 =	sshll.u32 s1, $0xD;
	s1 =	sshrl.u32 s1, $0x2  }
0xc8: {  	s4 =	sand.u32 $0x4000, s31;
	s1 =	sadd.s32 s1, s30  }
0xc9: {  	s0 =	sor.u32 s4, s0;
	s1 =	sshll.u32 s1, $0x11  }
0xca: {  	s0 =	sor.u32 s1, s0  }
0xcb: {  	s0 =	sadd.s32 $0x8F2B, s0  }
0xcc: {  	[sflag:s0] =	ssyncadd.remote.s32 $0x1  }
0xcd: {  	_ =	sfence.sel $0xFFFF  }
0xce: {  	[dreg:$0x0] =	wrdreg $0xFFFFFFFF;
	(pc) =	sbr.abs _section_cstart, $3  }
0xcf: {  	[dreg:$0x1] =	wrdreg $0xFFFFFFFF  }
0xd0: {  	_ =	task.clear_ibuf [dreg:s22], $0x2FFFF;
	_ =	strace $0x9FFFFFFF  }
0xd1: {  	(tm) =	ssettm $0x7FFFFFFF  }
tec
execute0_lowered:
.L_overlay_start_1:
0x0: {  	(tag) =	ssettag $0x1  }
0x1: {  	s9 =	rddreg [dreg:$0x0]  }
0x2: {  	s0 =	srdreg.scid;
	s2 =	rddreg [dreg:$0x1]  }
0x3: {  	s1 =	stileid.u32;
	s5 =	simm.s32 $0x1;
	s6 =	simm.s32 $0x2  }
0x4: {  	s10 =	simm.s32 $0x3;
	s14 =	simm.s32 $0x0;
	s3 =	sshll.u32 s0, $0xB  }
0x5: {  	s13 =	simm.s32 $0x0;
	s4 =	sshll.u32 s1, $0xC;
	s3 =	sand.u32 $0x800, s3  }
0x6: {  	s0 =	rddreg [dreg:$0x2];
	_ =	strace $0x80000053;
	s3 =	sor.u32 s4, s3  }
0x7: {  	[sflag:s5] =	ssyncpa.u1 $0x0;
	s4 =	sadd.s32 $0x810000, s9;
	s7 =	ssub.s32 $0x40000, s3  }
.Ltmp0:
0x8: {  	[sflag:s6] =	ssyncpa.u1 $0x0;
	s8 =	sand.u32 $0xF800, s7;
	(pc) =	sbr.rel .LBB2_1-.Ltmp0, $4  }
0x9: {  	[sflag:s10] =	ssyncpa.u1 $0x0;
	p0 =	sne.s32 s8, $0x0;
	s8 =	simm.s32 $0x1  }
0xa: {  	s12 =	smov.u32 s3;
	s11 =	sshrl.u32 s7, $0x10;
	s8 =	simm.s32 @!p0 $0x0  }
0xb: {  	s7 =	sadd.s32 $0x89000, s9;
	s9 =	sadd.s32 $0xC9000, s9;
	s8 =	sadd.s32 s8, s11  }
0xc: {  	vm0 =	vmmov $0xffff;
	v0 =	vlaneseq.u32;
	p0 =	por $0x0, $0x0;
	s11 =	simm.s32 $0x0;
	s10 =	sadd.s32 $0x1, s8  }
.LBB2_4:
0xd: {  	_ =	sdelay $0x1  }
0xe: {  	(ifvalue) =	ssetifvalue $0x7FFFFFFF  }
0xf: {  	s17 =	sshll.u32 s14, $0x3;
	(ifvalue) =	ssetifvalue $0x7FFFFFFF  }
0x10: {  	[tilespmem:s23], [sflag:$0x1] =	stream.indirect_vreg.gather [hbm4b:s4+s11], $0x1, v1, vm0, $0x4038;
	[tilespmem:$0x11000] =	vst v63  }
0x11: {  	s30 =	sand.u32 $0x78, s14;
	s17 =	sand.u32 $0xFFFFFC00, s17  }
0x12: {  	_ =	swait.ge [sflag:s5], $0x8000;
	s14 =	sor.u32 s30, s17  }
0x13: {  	[sflag:s5] =	ssyncset.done $0x0;
	s14 =	sshrl.u32 s14, $0x3  }
0x14: {  	[sflag:s5] =	ssyncadd.s32 $0xFFFF8000;
	s31 =	sadd.s32 s7, s14  }
0x15: {  	[hbm:s31] =	stream.linear.scatter [tilespmem:s16], [sflag:$0x3], $0x4000, $0x38;
	[tilespmem:$0x11000] =	vst v63  }
0x16: {  	s15 =	sadd.s32 $0x5000, s15;
	s14 =	sadd.s32 s14, s9  }
0x17: {  	[hbm:s14] =	stream.linear.scatter [tilespmem:s15], [sflag:$0x3], $0x4000, $0x38;
	[tilespmem:$0x11000] =	vst v63  }
.LBB2_5:
0x18: {  	s16 =	sadd.s32 $0x10000, s12  }
0x19: {  	p2 =	sgt.s32 s16, $0x3FFFF  }
0x1a: {  	s16 =	smov.u32 @p2 s3;
	p2 =	sne.s32 s13, s10  }
.Ltmp1:
0x1b: {  	p1 =	slt.u32 s13, $0x2;
	(pc) =	sbr.rel @!p2 .LBB2_6-.Ltmp1, $4  }
0x1c: {  	s15 =	simm.s32 @!p1 $0x3  }
0x1d: {  	s17 =	sadd.s32 $0x1, s13;
	_ =	swait.ge @!p1 [sflag:s15], $0x8000  }
0x1e: {  	s14 =	smov.u32 s12;
	p0 =	por !p0, !p0;
	[sflag:s15] =	ssyncset.done @!p1 $0x0  }
0x1f: {  	s13 =	smov.u32 s17;
	s12 =	smov.u32 s16;
	[sflag:s15] =	ssyncadd.s32 @!p1 $0xFFFF8000  }
.LBB2_1:
0x20: {  	p1 =	sge.u32 s13, s8  }
0x21: {  	s15 =	sxor.u32 @!p1 $0xFFFFFFFF, s13  }
0x22: {  	s31 =	sadd.s32 $0xFFFFFFFF, s13;
	s16 =	sshrl.u32 @!p1 s12, $0x3;
	s15 =	sshll.u32 @!p1 s15, $0xB  }
0x23: {  	s17 =	sand.u32 @!p1 $0x7, s12;
	s16 =	sadd.s32 @!p1 s2, s16;
	s15 =	sand.u32 @!p1 $0x800, s15  }
0x24: {  	[tilespmem:s15], [sflag:$0x2] =	stream.linear.gather @!p1 [hbm4b:s16+s17], $0x800, $0x38;
	[tilespmem:$0x11000] =	vst v63  }
0x25: {  	p1 =	sge.u32 s31, s8  }
.Ltmp2:
0x26: {  	_ = 	snop;
	(pc) =	sbr.rel @p1 .LBB2_5-.Ltmp2, $1  }
0x27: {  	_ =	sdelay $0x3  }
0x28: {  	s15 =	simm.s32 $0x1;
	_ =	swait.ge [sflag:s6], $0x800  }
0x29: {  	s15 =	simm.s32 @!p0 $0x0;
	[sflag:s6] =	ssyncset.done $0x0  }
0x2a: {  	s19 =	sshll.u32 s15, $0xB;
	[sflag:s6] =	ssyncadd.s32 $0xFFFFF800  }
0x2b: {  	v1 =	vld.msk [tilespmem:s19+$0x0 ss:$0x1], $0xffff;
	_ =	sdelay $0x3  }
0x2c: {  	s20 =	ssub.s32 $0x40000, s14  }
0x2d: {  	p1 =	slt.s32 s20, $0x800;
	v2 =	vshrl.u32 v1, $0xA  }
0x2e: {  	s20 =	simm.s32 @!p1 $0x800;
	vm1 =	veq.s32 v1, $0x80000000;
	v2 =	vand.u32 $0x7FF, v2  }
0x2f: {  	p1 =	sgt.s32 s20, $0x0;
	s15 =	smov.u32 s20;
	v1 =	vshll.u32 v1, $0xF;
	v2 =	vsel vm1, $0xFFFFFFFF, v2  }
0x30: {  	s15 =	simm.s32 @!p1 $0x0;
	v1 =	vand.u32 $0x1FF8000, v1;
	v3 =	vshll.u32 v2, $0x3  }
0x31: {  	s15 =	smin.u32 s15, $0x10;
	v1 =	vsel vm1, $0xFFFF8000, v1;
	v3 =	vand.u32 $0xFFFFFC00, v3  }
0x32: {  	v4 =	vmov s15;
	v2 =	vand.u32 $0x7F, v2;
	v1 =	vadd.s32 v1, v3  }
0x33: {  	vm1 =	vgt.u32 v4, v0;
	v1 =	vor.u32 v2, v1  }
0x34: {  	s26 =	sshll.u32 s13, $0xF;
	v2 =	vnsel vm1, $0x7FFFFFFF, v1  }
0x35: {  	s18 =	simm.s32 $0x0;
	s15 =	sand.u32 $0x8000, s26  }
0x36: {  	s17 =	simm.s32 $0x0;
	s18 =	sand.u32 $0x3C00, s18;
	s16 =	sor.u32 $0x1000, s15;
	v3 =	vor.u32 $0x80, v1  }
0x37: {  	s21 =	sand.u32 $0x70, s17;
	(ifvalue) =	ssetifvalue $0x7FFFFFFF;
	s18 =	sadd.s32 s18, s16;
	v3 =	vnsel vm1, $0x7FFFFFFF, v3  }
0x38: {  	(ifvalue) =	ssetifvalue $0x7FFFFFFF;
	s21 =	sadd.s32 s21, s18  }
0x39: {  	v51 =	vor.u32 $0x100, v1;
	[tilespmem:s21], [sflag:$0x1] =	stream.indirect_vreg.gather [hbm4b:s4+s11], $0x1, v2, vm0, $0x4038;
	[tilespmem:$0x11000] =	vst v63  }
0x3a: {  	v2 =	vnsel vm1, $0x7FFFFFFF, v51;
	(ifvalue) =	ssetifvalue $0x7FFFFFFF  }
0x3b: {  	s18 =	sadd.s32 $0x80, s21;
	(ifvalue) =	ssetifvalue $0x7FFFFFFF  }
0x3c: {  	v52 =	vor.u32 $0x180, v1;
	[tilespmem:s18], [sflag:$0x1] =	stream.indirect_vreg.gather [hbm4b:s4+s11], $0x1, v3, vm0, $0x4038;
	[tilespmem:$0x11000] =	vst v63  }
0x3d: {  	v3 =	vnsel vm1, $0x7FFFFFFF, v52;
	(ifvalue) =	ssetifvalue $0x7FFFFFFF  }
0x3e: {  	s28 =	sadd.s32 $0x100, s21;
	(ifvalue) =	ssetifvalue $0x7FFFFFFF  }
0x3f: {  	v53 =	vor.u32 $0x200, v1;
	[tilespmem:s28], [sflag:$0x1] =	stream.indirect_vreg.gather [hbm4b:s4+s11], $0x1, v2, vm0, $0x4038;
	[tilespmem:$0x11000] =	vst v63  }
0x40: {  	v2 =	vnsel vm1, $0x7FFFFFFF, v53;
	(ifvalue) =	ssetifvalue $0x7FFFFFFF  }
0x41: {  	s29 =	sadd.s32 $0x180, s21;
	(ifvalue) =	ssetifvalue $0x7FFFFFFF  }
0x42: {  	v54 =	vor.u32 $0x280, v1;
	[tilespmem:s29], [sflag:$0x1] =	stream.indirect_vreg.gather [hbm4b:s4+s11], $0x1, v3, vm0, $0x4038;
	[tilespmem:$0x11000] =	vst v63  }
0x43: {  	v3 =	vnsel vm1, $0x7FFFFFFF, v54;
	(ifvalue) =	ssetifvalue $0x7FFFFFFF  }
0x44: {  	s30 =	sadd.s32 $0x200, s21;
	(ifvalue) =	ssetifvalue $0x7FFFFFFF  }
0x45: {  	v55 =	vor.u32 $0x300, v1;
	[tilespmem:s30], [sflag:$0x1] =	stream.indirect_vreg.gather [hbm4b:s4+s11], $0x1, v2, vm0, $0x4038;
	[tilespmem:$0x11000] =	vst v63  }
0x46: {  	v2 =	vnsel vm1, $0x7FFFFFFF, v55;
	(ifvalue) =	ssetifvalue $0x7FFFFFFF  }
0x47: {  	s31 =	sand.u32 $0x7, s17;
	s22 =	sadd.s32 $0x280, s21;
	(ifvalue) =	ssetifvalue $0x7FFFFFFF  }
0x48: {  	v56 =	vor.u32 $0x380, v1;
	[tilespmem:s22], [sflag:$0x1] =	stream.indirect_vreg.gather [hbm4b:s4+s11], $0x1, v3, vm0, $0x4038;
	[tilespmem:$0x11000] =	vst v63  }
0x49: {  	s18 =	sshll.u32 s31, $0x4;
	v3 =	vnsel vm1, $0x7FFFFFFF, v56;
	(ifvalue) =	ssetifvalue $0x7FFFFFFF  }
0x4a: {  	s23 =	sadd.s32 $0x300, s21;
	s18 =	sadd.s32 $0x0, s18;
	(ifvalue) =	ssetifvalue $0x7FFFFFFF  }
0x4b: {  	v57 =	vadd.s32 $0x4000, v1;
	[tilespmem:s23], [sflag:$0x1] =	stream.indirect_vreg.gather [hbm4b:s4+s11], $0x1, v2, vm0, $0x4038;
	[tilespmem:$0x11000] =	vst v63  }
0x4c: {  	s18 =	sor.u32 $0x380, s18;
	v2 =	vnsel vm1, $0x7FFFFFFF, v57;
	(ifvalue) =	ssetifvalue $0x7FFFFFFF  }
0x4d: {  	s18 =	sadd.s32 s18, s16;
	(ifvalue) =	ssetifvalue $0x7FFFFFFF  }
0x4e: {  	v58 =	vadd.s32 $0x4080, v1;
	[tilespmem:s18], [sflag:$0x1] =	stream.indirect_vreg.gather [hbm4b:s4+s11], $0x1, v3, vm0, $0x4038;
	[tilespmem:$0x11000] =	vst v63  }
0x4f: {  	v3 =	vnsel vm1, $0x7FFFFFFF, v58;
	(ifvalue) =	ssetifvalue $0x7FFFFFFF  }
0x50: {  	s24 =	sadd.s32 $0x4000, s21;
	(ifvalue) =	ssetifvalue $0x7FFFFFFF  }
0x51: {  	v59 =	vadd.s32 $0x4100, v1;
	[tilespmem:s24], [sflag:$0x1] =	stream.indirect_vreg.gather [hbm4b:s4+s11], $0x1, v2, vm0, $0x4038;
	[tilespmem:$0x11000] =	vst v63  }
0x52: {  	v2 =	vnsel vm1, $0x7FFFFFFF, v59;
	(ifvalue) =	ssetifvalue $0x7FFFFFFF  }
0x53: {  	s25 =	sadd.s32 $0x4080, s21;
	(ifvalue) =	ssetifvalue $0x7FFFFFFF  }
0x54: {  	v60 =	vadd.s32 $0x4180, v1;
	[tilespmem:s25], [sflag:$0x1] =	stream.indirect_vreg.gather [hbm4b:s4+s11], $0x1, v3, vm0, $0x4038;
	[tilespmem:$0x11000] =	vst v63  }
0x55: {  	v3 =	vnsel vm1, $0x7FFFFFFF, v60;
	(ifvalue) =	ssetifvalue $0x7FFFFFFF  }
0x56: {  	s26 =	sadd.s32 $0x4100, s21;
	(ifvalue) =	ssetifvalue $0x7FFFFFFF  }
0x57: {  	v61 =	vadd.s32 $0x4200, v1;
	[tilespmem:s26], [sflag:$0x1] =	stream.indirect_vreg.gather [hbm4b:s4+s11], $0x1, v2, vm0, $0x4038;
	[tilespmem:$0x11000] =	vst v63  }
0x58: {  	v2 =	vnsel vm1, $0x7FFFFFFF, v61;
	(ifvalue) =	ssetifvalue $0x7FFFFFFF  }
0x59: {  	s28 =	sadd.s32 $0x4180, s21;
	(ifvalue) =	ssetifvalue $0x7FFFFFFF  }
0x5a: {  	v62 =	vadd.s32 $0x4280, v1;
	[tilespmem:s28], [sflag:$0x1] =	stream.indirect_vreg.gather [hbm4b:s4+s11], $0x1, v3, vm0, $0x4038;
	[tilespmem:$0x11000] =	vst v63  }
0x5b: {  	v3 =	vnsel vm1, $0x7FFFFFFF, v62;
	(ifvalue) =	ssetifvalue $0x7FFFFFFF  }
0x5c: {  	s29 =	sadd.s32 $0x4200, s21;
	(ifvalue) =	ssetifvalue $0x7FFFFFFF  }
0x5d: {  	v63 =	vadd.s32 $0x4300, v1;
	[tilespmem:s29], [sflag:$0x1] =	stream.indirect_vreg.gather [hbm4b:s4+s11], $0x1, v2, vm0, $0x4038;
	[tilespmem:$0x11000] =	vst v63  }
0x5e: {  	s19 =	sadd.s32 $0x10, s19;
	s20 =	sadd.s32 $0xFFFFFFF0, s20;
	v2 =	vnsel vm1, $0x7FFFFFFF, v63;
	(ifvalue) =	ssetifvalue $0x7FFFFFFF  }
0x5f: {  	s31 =	sadd.s32 $0x4300, s21;
	s30 =	sadd.s32 $0x4280, s21;
	(ifvalue) =	ssetifvalue $0x7FFFFFFF  }
0x60: {  	[tilespmem:s30], [sflag:$0x1] =	stream.indirect_vreg.gather [hbm4b:s4+s11], $0x1, v3, vm0, $0x4038;
	[tilespmem:$0x11000] =	vst v63  }
0x61: {  	v1 =	vadd.s32 $0x4380, v1;
	s22 =	simm.s32 $0x0;
	s23 =	sadd.s32 $0x4380, s21;
	(ifvalue) =	ssetifvalue $0x7FFFFFFF  }
0x62: {  	v1 =	vnsel vm1, $0x7FFFFFFF, v1;
	s21 =	simm.s32 $0xFFFFC080;
	s18 =	simm.s32 $0x10;
	(ifvalue) =	ssetifvalue $0x7FFFFFFF  }
0x63: {  	[tilespmem:s31], [sflag:$0x1] =	stream.indirect_vreg.gather [hbm4b:s4+s11], $0x1, v2, vm0, $0x4038;
	[tilespmem:$0x11000] =	vst v63  }
.LBB2_3:
0x64: {  	(ifvalue) =	ssetifvalue $0x7FFFFFFF  }
0x65: {  	s17 =	sadd.s32 $0x80, s17;
	s22 =	sadd.s32 $0x1, s22;
	s24 =	smov.u32 s18  }
0x66: {  	p1 =	sne.s32 s18, $0x7F0;
	s18 =	sadd.s32 $0x10, s18;
	(ifvalue) =	ssetifvalue $0x7FFFFFFF  }
0x67: {  	[tilespmem:s23], [sflag:$0x1] =	stream.indirect_vreg.gather [hbm4b:s4+s11], $0x1, v1, vm0, $0x4038;
	[tilespmem:$0x11000] =	vst v63  }
0x68: {  	v1 =	vld.msk [tilespmem:s19+$0x0 ss:$0x1], $0xffff;
	_ =	sdelay $0x5  }
0x69: {  	p2 =	sgt.s32 s20, $0x0;
	s23 =	smov.u32 s20;
	v2 =	vshrl.u32 v1, $0xA;
	v3 =	vshll.u32 v1, $0xF  }
0x6a: {  	s23 =	simm.s32 @!p2 $0x0;
	vm1 =	veq.s32 v1, $0x80000000;
	v1 =	vand.u32 $0x7FF, v2;
	v2 =	vand.u32 $0x1FF8000, v3  }
0x6b: {  	s23 =	smin.u32 s23, $0x10;
	v1 =	vsel vm1, $0xFFFFFFFF, v1;
	v2 =	vsel vm1, $0xFFFF8000, v2  }
0x6c: {  	v4 =	vmov s23;
	v3 =	vand.u32 $0x7F, v1;
	v1 =	vshll.u32 v1, $0x3  }
0x6d: {  	vm1 =	vgt.u32 v4, v0;
	v1 =	vand.u32 $0xFFFFFC00, v1  }
0x6e: {  	v1 =	vadd.s32 v2, v1  }
0x6f: {  	s23 =	sadd.s32 $0x4000, s21;
	v1 =	vor.u32 v3, v1  }
0x70: {  	s23 =	sand.u32 $0x3C00, s23;
	v2 =	vnsel vm1, $0x7FFFFFFF, v1;
	v3 =	vor.u32 $0x80, v1;
	v4 =	vor.u32 $0x100, v1  }
0x71: {  	s24 =	sand.u32 $0x70, s24;
	s23 =	sadd.s32 s23, s16;
	v5 =	vor.u32 $0x180, v1;
	v3 =	vnsel vm1, $0x7FFFFFFF, v3;
	v4 =	vnsel vm1, $0x7FFFFFFF, v4;
	(ifvalue) =	ssetifvalue $0x7FFFFFFF  }
0x72: {  	s23 =	sadd.s32 s24, s23;
	v6 =	vor.u32 $0x200, v1;
	v7 =	vor.u32 $0x280, v1;
	v5 =	vnsel vm1, $0x7FFFFFFF, v5;
	(ifvalue) =	ssetifvalue $0x7FFFFFFF  }
0x73: {  	v8 =	vor.u32 $0x300, v1;
	v6 =	vnsel vm1, $0x7FFFFFFF, v6;
	v7 =	vnsel vm1, $0x7FFFFFFF, v7  }
0x74: {  	v9 =	vor.u32 $0x380, v1;
	v10 =	vadd.s32 $0x4000, v1;
	v8 =	vnsel vm1, $0x7FFFFFFF, v8  }
0x75: {  	[tilespmem:s23], [sflag:$0x1] =	stream.indirect_vreg.gather [hbm4b:s4+s11], $0x1, v2, vm0, $0x4038;
	v2 =	vnsel vm1, $0x7FFFFFFF, v9;
	v9 =	vnsel vm1, $0x7FFFFFFF, v10;
	v10 =	vadd.s32 $0x4080, v1;
	[tilespmem:$0x11000] =	vst v63  }
0x76: {  	v11 =	vadd.s32 $0x4100, v1;
	v12 =	vadd.s32 $0x4180, v1;
	(ifvalue) =	ssetifvalue $0x7FFFFFFF;
	v10 =	vnsel vm1, $0x7FFFFFFF, v10  }
0x77: {  	s24 =	sadd.s32 $0x80, s23;
	v13 =	vadd.s32 $0x4200, v1;
	v11 =	vnsel vm1, $0x7FFFFFFF, v11;
	v12 =	vnsel vm1, $0x7FFFFFFF, v12;
	(ifvalue) =	ssetifvalue $0x7FFFFFFF  }
0x78: {  	v14 =	vadd.s32 $0x4300, v1;
	[tilespmem:s24], [sflag:$0x1] =	stream.indirect_vreg.gather [hbm4b:s4+s11], $0x1, v3, vm0, $0x4038;
	v3 =	vnsel vm1, $0x7FFFFFFF, v13;
	v13 =	vadd.s32 $0x4280, v1;
	[tilespmem:$0x11000] =	vst v63  }
0x79: {  	v14 =	vnsel vm1, $0x7FFFFFFF, v14;
	v1 =	vadd.s32 $0x4380, v1;
	(ifvalue) =	ssetifvalue $0x7FFFFFFF;
	v13 =	vnsel vm1, $0x7FFFFFFF, v13  }
0x7a: {  	s24 =	sadd.s32 $0x100, s23;
	v1 =	vnsel vm1, $0x7FFFFFFF, v1;
	(ifvalue) =	ssetifvalue $0x7FFFFFFF  }
0x7b: {  	[tilespmem:s24], [sflag:$0x1] =	stream.indirect_vreg.gather [hbm4b:s4+s11], $0x1, v4, vm0, $0x4038;
	[tilespmem:$0x11000] =	vst v63  }
0x7c: {  	(ifvalue) =	ssetifvalue $0x7FFFFFFF  }
0x7d: {  	s24 =	sadd.s32 $0x180, s23;
	(ifvalue) =	ssetifvalue $0x7FFFFFFF  }
0x7e: {  	[tilespmem:s24], [sflag:$0x1] =	stream.indirect_vreg.gather [hbm4b:s4+s11], $0x1, v5, vm0, $0x4038;
	[tilespmem:$0x11000] =	vst v63  }
0x7f: {  	(ifvalue) =	ssetifvalue $0x7FFFFFFF  }
0x80: {  	s24 =	sadd.s32 $0x200, s23;
	(ifvalue) =	ssetifvalue $0x7FFFFFFF  }
0x81: {  	[tilespmem:s24], [sflag:$0x1] =	stream.indirect_vreg.gather [hbm4b:s4+s11], $0x1, v6, vm0, $0x4038;
	[tilespmem:$0x11000] =	vst v63  }
0x82: {  	(ifvalue) =	ssetifvalue $0x7FFFFFFF  }
0x83: {  	s25 =	sadd.s32 $0x280, s23;
	s24 =	sand.u32 $0x7, s22;
	(ifvalue) =	ssetifvalue $0x7FFFFFFF  }
0x84: {  	[tilespmem:s25], [sflag:$0x1] =	stream.indirect_vreg.gather [hbm4b:s4+s11], $0x1, v7, vm0, $0x4038;
	[tilespmem:$0x11000] =	vst v63  }
0x85: {  	s24 =	sshll.u32 s24, $0x4;
	(ifvalue) =	ssetifvalue $0x7FFFFFFF  }
0x86: {  	s24 =	sadd.s32 s24, s17;
	s25 =	sadd.s32 $0x300, s23;
	(ifvalue) =	ssetifvalue $0x7FFFFFFF  }
0x87: {  	[tilespmem:s25], [sflag:$0x1] =	stream.indirect_vreg.gather [hbm4b:s4+s11], $0x1, v8, vm0, $0x4038;
	[tilespmem:$0x11000] =	vst v63  }
0x88: {  	s24 =	sor.u32 $0x380, s24;
	(ifvalue) =	ssetifvalue $0x7FFFFFFF  }
0x89: {  	s24 =	sadd.s32 s24, s16;
	(ifvalue) =	ssetifvalue $0x7FFFFFFF  }
0x8a: {  	[tilespmem:s24], [sflag:$0x1] =	stream.indirect_vreg.gather [hbm4b:s4+s11], $0x1, v2, vm0, $0x4038;
	[tilespmem:$0x11000] =	vst v63  }
0x8b: {  	(ifvalue) =	ssetifvalue $0x7FFFFFFF  }
0x8c: {  	s24 =	sadd.s32 $0x4000, s23;
	(ifvalue) =	ssetifvalue $0x7FFFFFFF  }
0x8d: {  	[tilespmem:s24], [sflag:$0x1] =	stream.indirect_vreg.gather [hbm4b:s4+s11], $0x1, v9, vm0, $0x4038;
	[tilespmem:$0x11000] =	vst v63  }
0x8e: {  	(ifvalue) =	ssetifvalue $0x7FFFFFFF  }
0x8f: {  	s25 =	sadd.s32 $0x4100, s23;
	s24 =	sadd.s32 $0x4080, s23;
	(ifvalue) =	ssetifvalue $0x7FFFFFFF  }
0x90: {  	[tilespmem:s24], [sflag:$0x1] =	stream.indirect_vreg.gather [hbm4b:s4+s11], $0x1, v10, vm0, $0x4038;
	[tilespmem:$0x11000] =	vst v63  }
0x91: {  	(ifvalue) =	ssetifvalue $0x7FFFFFFF  }
0x92: {  	(ifvalue) =	ssetifvalue $0x7FFFFFFF  }
0x93: {  	[tilespmem:s25], [sflag:$0x1] =	stream.indirect_vreg.gather [hbm4b:s4+s11], $0x1, v11, vm0, $0x4038;
	[tilespmem:$0x11000] =	vst v63  }
0x94: {  	(ifvalue) =	ssetifvalue $0x7FFFFFFF  }
0x95: {  	s24 =	sadd.s32 $0x4180, s23;
	s25 =	sadd.s32 $0x4200, s23;
	(ifvalue) =	ssetifvalue $0x7FFFFFFF  }
0x96: {  	[tilespmem:s24], [sflag:$0x1] =	stream.indirect_vreg.gather [hbm4b:s4+s11], $0x1, v12, vm0, $0x4038;
	[tilespmem:$0x11000] =	vst v63  }
0x97: {  	(ifvalue) =	ssetifvalue $0x7FFFFFFF  }
0x98: {  	s24 =	sadd.s32 $0x4280, s23;
	(ifvalue) =	ssetifvalue $0x7FFFFFFF  }
0x99: {  	[tilespmem:s25], [sflag:$0x1] =	stream.indirect_vreg.gather [hbm4b:s4+s11], $0x1, v3, vm0, $0x4038;
	[tilespmem:$0x11000] =	vst v63  }
0x9a: {  	(ifvalue) =	ssetifvalue $0x7FFFFFFF  }
.Ltmp3:
0x9b: {  	s25 =	sadd.s32 $0x4300, s23;
	(ifvalue) =	ssetifvalue $0x7FFFFFFF;
	(pc) =	sbr.rel @p1 .LBB2_3-.Ltmp3, $4  }
0x9c: {  	[tilespmem:s24], [sflag:$0x1] =	stream.indirect_vreg.gather [hbm4b:s4+s11], $0x1, v13, vm0, $0x4038;
	[tilespmem:$0x11000] =	vst v63  }
0x9d: {  	s20 =	sadd.s32 $0xFFFFFFF0, s20;
	s19 =	sadd.s32 $0x10, s19;
	(ifvalue) =	ssetifvalue $0x7FFFFFFF  }
0x9e: {  	s21 =	sadd.s32 $0x80, s21;
	s23 =	sadd.s32 $0x4380, s23;
	(ifvalue) =	ssetifvalue $0x7FFFFFFF  }
0x9f: {  	[tilespmem:s25], [sflag:$0x1] =	stream.indirect_vreg.gather [hbm4b:s4+s11], $0x1, v14, vm0, $0x4038;
	[tilespmem:$0x11000] =	vst v63  }
.Ltmp4:
0xa0: {  	_ = 	snop;
	(pc) =	sbr.rel .LBB2_4-.Ltmp4, $1  }
0xa1: {  	_ =	sdelay $0x3  }
.LBB2_6:
0xa2: {  	_ =	sfence.sel $0x180000  }
0xa3: {  	s2 =	simm.s32 $0x2;
	[bflag:$0x0] =	sbarrier.arrive $0xFFFF  }
0xa4: {  	s30 =	simm.s32 $0x3;
	[sflag:s2] =	ssyncpa.u1 $0x1  }
0xa5: {  	s31 =	simm.s32 $0x1;
	[sflag:s30] =	ssyncpa.u1 $0x1  }
0xa6: {  	[sflag:s31] =	ssyncpa.u1 $0x1  }
0xa7: {  	p0 =	sne.s32 s1, $0x0;
	_ =	strace $0x90000053  }
0xa8: {  	s0 =	sadd.s32 @!p0 $0x100000, s0;
	[bflag:$0x2] =	sbarrier.arrive $0xFFFF  }
0xa9: {  	[sflag:s0] =	ssyncadd.tile.s32 @!p0 $0x1;
	_ =	shalt  }
.Lfunc_end2:
_tile_overlayer_lowered:
.L_overlay_start_2:
0xaa: {  	(tag) =	ssettag $0x2  }
0xab: {  	s0 =	rddreg [dreg:$0x0];
	s2 =	stileid.u32  }
0xac: {  	s1 =	rddreg [dreg:$0x1];
	p0 =	sne.s32 s2, $0x0  }
0xad: {  	s3 =	rddreg [dreg:$0x2];
	[bflag:$0x3] =	sbarrier.arrive $0xFFFF;
	s2 =	simm.s32 @!p0 $0x1C01  }
0xae: {  	[timem:s3], [sflag:s2] =	dma.local @!p0 [hbm:s0], s1  }
0xaf: {  	s0 =	simm.s32 @!p0 $0x1  }
0xb0: {  	_ =	swait.ge @!p0 [sflag:s0], s1  }
0xb1: {  	s1 =	ssub.s32 @!p0 $0x0, s1;
	[sflag:s0] =	ssyncset.done @!p0 $0x0  }
0xb2: {  	[sflag:s0] =	ssyncadd.s32 @!p0 s1  }
0xb3: {  	[bflag:$0x3] =	sbarrier.arrive $0xFFFF  }
0xb4: {  	_ =	shalt  }

// kernel: gather_offload_async_start.3
scs
__scs_entry_jumppad:
0x0: {  	(pc) =	sbr.rel $0x88, $3  }
0x1: {  	(tag) =	ssettag $0x0;
	lr =	simm.s32 $0x1  }
0x2: {  	[smem:$0x3F9E] =	sst lr;
	_ =	strace $0xD0000000  }
0x3: {  	_ = 	snop  }
0x4: {  	_ = 	snop  }
0x5: {  	_ = 	snop  }
0x6: {  	_ = 	snop  }
0x7: {  	_ = 	snop  }
__scs_overlays_trampoline_lowered:
0x8: {  	[smem:$0x3FAD] =	sst s0  }
0x9: {  	[smem:$0x3FAE] =	sst s1  }
0xa: {  	[smem:$0x3FAF] =	sst s2  }
0xb: {  	[smem:$0x3FB0] =	sst s3  }
0xc: {  	[smem:$0x3FB1] =	sst s4  }
0xd: {  	[smem:$0x3FB2] =	sst s5  }
0xe: {  	[smem:$0x3FB3] =	sst s6  }
0xf: {  	[smem:$0x3FB4] =	sst s7  }
0x10: {  	[smem:$0x3FB5] =	sst s8  }
0x11: {  	[smem:$0x3FB6] =	sst s9;
	s0 =	simm.s32 @!p0 $0x0  }
0x12: {  	s1 =	sld [smem:$0x3F9C];
	s0 =	simm.s32 @p0 $0x1  }
0x13: {  	[smem:$0x3FB7] =	sst s0;
	s0 =	simm.s32 @!p1 $0x0  }
0x14: {  	s2 =	sld [smem:$0x3F9B];
	s0 =	simm.s32 @p1 $0x1  }
0x15: {  	[smem:$0x3FB8] =	sst s0;
	s0 =	simm.s32 @!p2 $0x0  }
0x16: {  	s3 =	sld [smem:$0x3FDB];
	s0 =	simm.s32 @p2 $0x1  }
0x17: {  	s4 =	simm.s32 $0x1BF5;
	[smem:$0x3FBA] =	sst s0  }
0x18: {  	s0 =	sld [smem:$0x3F9D];
	_ =	swait.ge [sflag:s4], $0x0  }
0x19: {  	s7 =	sld [smem:$0x3F9E]  }
0x1a: {  	s8 =	sadd.s32 $0xFFFFE003, lr  }
0x1b: {  	s9 =	sadd.s32 $0xFFFFFEF7, lr;
	s5 =	simm.s32 $0xFFFFFFFF;
	p2 =	slt.u32 s8, $0xFFFFF086  }
0x1c: {  	p1 =	slt.u32 s9, $0xF7A;
	s5 =	simm.s32 @!p2 $0x0  }
0x1d: {  	s5 =	simm.s32 @p1 $0x1;
	p0 =	seq.s32 s7, s2  }
0x1e: {  	s7 =	smul.u32 @!p0 $0xF7A, s2;
	p2 =	seq.s32 @!p0 s5, $0x0  }
0x1f: {  	s9 =	smul.u32 $0xF7A, s1;
	s8 =	simm.s32 @!p0 $0x1BF5;
	p2 =	por !p2, p0  }
0x20: {  	[sflag:s8] =	ssyncset.s32 @!p0 $0xFFFFF086;
	s6 =	sadd.s32 @!p0 s3, s7;
	s7 =	simm.s32 @!p0 $0x108  }
0x21: {  	s3 =	sadd.s32 s3, s9;
	s6 =	sadd.s32 @!p0 $0x88, s6;
	s7 =	simm.s32 @p2 $0x1082  }
0x22: {  	[simem:s7], [sflag:s8] =	dma.local @!p0 [hbm:s6], $0xF7A  }
0x23: {  	s9 =	sor.u32 $0xD0000000, s2;
	s6 =	simm.s32 $0x108;
	_ =	swait.ge @!p0 [sflag:s8], $0x0  }
0x24: {  	s3 =	sadd.s32 $0x88, s3;
	s6 =	simm.s32 @!p1 $0x1082;
	[sflag:s4] =	ssyncset.s32 $0xFFFFF086  }
0x25: {  	[simem:s6], [sflag:s4] =	dma.local [hbm:s3], $0xF7A  }
0x26: {  	[smem:$0x3F9E] =	sst s1;
	(tag) =	ssettag s2;
	_ =	strace s9  }
0x27: {  	s1 =	sld [smem:$0x3FAE]  }
0x28: {  	s2 =	sld [smem:$0x3FAF]  }
0x29: {  	s4 =	sld [smem:$0x3FB1]  }
0x2a: {  	p0 =	seq.s32 s5, $0x0;
	s5 =	sld [smem:$0x3FB2]  }
0x2b: {  	s6 =	sld [smem:$0x3FB3]  }
0x2c: {  	s7 =	sld [smem:$0x3FB4]  }
0x2d: {  	s3 =	simm.s32 $0x108;
	s8 =	sld [smem:$0x3FB5]  }
0x2e: {  	s3 =	simm.s32 @!p0 $0x1082;
	s9 =	sld [smem:$0x3FB6]  }
0x2f: {  	lr =	sadd.s32 s0, s3;
	s0 =	sld [smem:$0x3FAD]  }
0x30: {  	s3 =	sld [smem:$0x3FB0]  }
0x31: {  	[smem:$0x3FB9] =	sst s10  }
0x32: {  	s10 =	sld [smem:$0x3FB7];
	_ =	sdelay $0x3  }
0x33: {  	p0 =	seq.s32 s10, $0x1;
	s10 =	sld [smem:$0x3FB9];
	_ =	sdelay $0x3  }
0x34: {  	[smem:$0x3FB9] =	sst s10  }
0x35: {  	s10 =	sld [smem:$0x3FB8];
	_ =	sdelay $0x3  }
0x36: {  	p1 =	seq.s32 s10, $0x1;
	s10 =	sld [smem:$0x3FB9];
	_ =	sdelay $0x3  }
0x37: {  	[smem:$0x3FB9] =	sst s10  }
0x38: {  	s10 =	sld [smem:$0x3FBA]  }
0x39: {  	_ = 	snop;
	(pc) =	sbr.ind lr, $3  }
0x3a: {  	_ = 	snop  }
0x3b: {  	_ = 	snop  }
0x3c: {  	p2 =	seq.s32 s10, $0x1;
	s10 =	sld [smem:$0x3FB9]  }
0x3d: {  	_ =	shalt  }
0x3e: {  	_ =	shalt  }
0x3f: {  	_ =	shalt  }
0x40: {  	_ =	shalt  }
0x41: {  	_ =	shalt  }
0x42: {  	_ =	shalt  }
0x43: {  	_ =	shalt  }
0x44: {  	_ =	shalt  }
0x45: {  	_ =	shalt  }
0x46: {  	_ =	shalt  }
0x47: {  	_ =	shalt  }
0x48: {  	_ =	shalt  }
0x49: {  	_ =	shalt  }
0x4a: {  	_ =	shalt  }
0x4b: {  	_ =	shalt  }
0x4c: {  	_ =	shalt  }
0x4d: {  	_ =	shalt  }
0x4e: {  	_ =	shalt  }
0x4f: {  	_ =	shalt  }
0x50: {  	_ =	shalt  }
0x51: {  	_ =	shalt  }
0x52: {  	_ =	shalt  }
0x53: {  	_ =	shalt  }
0x54: {  	_ =	shalt  }
0x55: {  	_ =	shalt  }
0x56: {  	_ =	shalt  }
0x57: {  	_ =	shalt  }
0x58: {  	_ =	shalt  }
0x59: {  	_ =	shalt  }
0x5a: {  	_ =	shalt  }
0x5b: {  	_ =	shalt  }
0x5c: {  	_ =	shalt  }
0x5d: {  	_ =	shalt  }
0x5e: {  	_ =	shalt  }
0x5f: {  	_ =	shalt  }
0x60: {  	_ =	shalt  }
0x61: {  	_ =	shalt  }
0x62: {  	_ =	shalt  }
0x63: {  	_ =	shalt  }
0x64: {  	_ =	shalt  }
0x65: {  	_ =	shalt  }
0x66: {  	_ =	shalt  }
0x67: {  	_ =	shalt  }
0x68: {  	_ =	shalt  }
0x69: {  	_ =	shalt  }
0x6a: {  	_ =	shalt  }
0x6b: {  	_ =	shalt  }
0x6c: {  	_ =	shalt  }
0x6d: {  	_ =	shalt  }
0x6e: {  	_ =	shalt  }
0x6f: {  	_ =	shalt  }
0x70: {  	_ =	shalt  }
0x71: {  	_ =	shalt  }
0x72: {  	_ =	shalt  }
0x73: {  	_ =	shalt  }
0x74: {  	_ =	shalt  }
0x75: {  	_ =	shalt  }
0x76: {  	_ =	shalt  }
0x77: {  	_ =	shalt  }
0x78: {  	_ =	shalt  }
0x79: {  	_ =	shalt  }
0x7a: {  	_ =	shalt  }
0x7b: {  	_ =	shalt  }
0x7c: {  	_ =	shalt  }
0x7d: {  	_ =	shalt  }
0x7e: {  	_ =	shalt  }
0x7f: {  	_ =	shalt  }
0x80: {  	_ =	shalt  }
0x81: {  	_ =	shalt  }
0x82: {  	_ =	shalt  }
0x83: {  	_ =	shalt  }
0x84: {  	_ =	shalt  }
0x85: {  	_ =	shalt  }
0x86: {  	_ =	shalt  }
0x87: {  	_ =	shalt  }
.Lfunc_end0:
.L_simem_size_0:
called_computation.5_lowered:
.L_overlay_start_0:
0x88: {  	s2 =	sld [smem:$0x3FD9]  }
0x89: {  	s3 =	sld [smem:$0x3FFE];
	_ =	sdelay $0x1  }
0x8a: {  	s1 =	srdreg.scid  }
0x8b: {  	s0 =	sand.u32 $0x1, s1  }
0x8c: {  	s16 =	sshll.u32 s0, $0xA;
	s2 =	sadd.s32 s3, s2  }
0x8d: {  	s2 =	sadd.s32 s2, s16  }
0x8e: {  	[smem:$0x3FC5] =	sst s2  }
0x8f: {  	_ = 	snop  }
0x90: {  	(tm) =	ssettm $0x1  }
0x91: {  	s17 =	sld [smem:$0x3FFB];
	_ =	sdelay $0x3  }
0x92: {  	_ =	strace s17  }
0x93: {  	s2 =	sld [smem:$0x3FFC];
	_ =	sdelay $0x3  }
0x94: {  	_ =	strace s2  }
0x95: {  	s2 =	sld [smem:$0x3FFD];
	_ =	sdelay $0x3  }
0x96: {  	_ =	strace s2  }
0x97: {  	_ =	strace $0x8FFFFFFF  }
0x98: {  	s18 =	sld [smem:$0x3FDB];
	_ =	sdelay $0x1  }
0x99: {  	s19 =	simm.s32 $_scs_section_size  }
0x9a: {  	s4 =	simm.s32 $_size__tile_overlayer_lowered;
	s5 =	simm.s32 $_tile_overlayer_lowered  }
0x9b: {  	s22 =	simm.s32 $0x1BFF;
	s21 =	sshll.u32 s5, $0x1;
	s2 =	sadd.s32 s19, s18  }
0x9c: {  	s6 =	simm.s32 $0x0;
	s20 =	sshll.u32 s4, $0x1;
	s4 =	sadd.s32 s21, s2  }
0x9d: {  	[timem:s6], [sflag:s22] =	dma.local [hbm:s4], s20  }
0x9e: {  	_ =	swait.ge [sflag:s22], s20  }
0x9f: {  	s3 =	ssub.s32 $0x0, s20;
	[sflag:s22] =	ssyncset.done $0x0  }
0xa0: {  	[sflag:s22] =	ssyncadd.s32 s3;
	_ =	sdelay $0x1  }
0xa1: {  	s23 =	simm.s32 $0x1B8B  }
0xa2: {  	_ =	swait.ge [sflag:s23], $0x1  }
0xa3: {  	[sflag:s23] =	ssyncset.done $0x0  }
0xa4: {  	s25 =	simm.s32 $0x1B8E;
	s24 =	sld [smem:$0x3FFE];
	[sflag:s23] =	ssyncadd.s32 $0xFFFFFFFF  }
0xa5: {  	s26 =	simm.s32 $execute0_lowered;
	[smem:$0x3FD2] =	sst s25  }
0xa6: {  	s4 =	sshll.u32 s26, $0x1;
	_ =	strace $0x80000055;
	[dreg:$0x1] =	wrdreg $0xFFFFFFFF  }
0xa7: {  	s28 =	simm.s32 $_size_execute0_lowered;
	s2 =	sadd.s32 s2, s4;
	[dreg:$0x0] =	wrdreg $0x0  }
0xa8: {  	s4 =	sshll.u32 s28, $0x1;
	[dreg:$0x2] =	wrdreg s2  }
0xa9: {  	[dreg:$0x3] =	wrdreg s4  }
0xaa: {  	[dreg:$0x4] =	wrdreg $0xC0  }
0xab: {  	_ =	task [dreg:s6], $0x5FFFF  }
0xac: {  	[dreg:$0x1] =	wrdreg $0xFFFFFFFF  }
0xad: {  	[dreg:$0x0] =	wrdreg $0x60  }
0xae: {  	[dreg:$0x2] =	wrdreg s24  }
0xaf: {  	[dreg:$0x3] =	wrdreg $0x9  }
0xb0: {  	_ =	task.clear_ibuf [dreg:s6], $0x4FFFF;
	_ =	strace $0x90000055  }
0xb1: {  	s29 =	simm.s32 $0x9;
	_ =	strace $0x80000057  }
0xb2: {  	_ =	swait.ge [sflag:s29], $0x1  }
0xb3: {  	[sflag:s29] =	ssyncadd.s32 $0xFFFFFFFF  }
0xb4: {  	_ =	strace $0x90000057  }
0xb5: {  	_ =	sfence  }
0xb6: {  	s30 =	sld [smem:$0x0];
	_ =	sdelay $0x2  }
0xb7: {  	s31 =	sshll.u32 s1, $0xD;
	s1 =	sshrl.u32 s1, $0x2  }
0xb8: {  	s3 =	sand.u32 $0x4000, s31;
	s1 =	sadd.s32 s1, s30  }
0xb9: {  	s0 =	sor.u32 s3, s0;
	s1 =	sshll.u32 s1, $0x11  }
0xba: {  	s0 =	sor.u32 s1, s0  }
0xbb: {  	s0 =	sadd.s32 $0x8F2B, s0  }
0xbc: {  	[sflag:s0] =	ssyncadd.remote.s32 $0x1  }
0xbd: {  	_ =	sfence.sel $0xFFFF  }
0xbe: {  	[dreg:$0x0] =	wrdreg $0xFFFFFFFF;
	(pc) =	sbr.abs _section_cstart, $3  }
0xbf: {  	[dreg:$0x1] =	wrdreg $0xFFFFFFFF  }
0xc0: {  	_ =	task.clear_ibuf [dreg:s6], $0x2FFFF;
	_ =	strace $0x9FFFFFFF  }
0xc1: {  	(tm) =	ssettm $0x7FFFFFFF  }
tec
execute0_lowered:
.L_overlay_start_1:
0x0: {  	(tag) =	ssettag $0x1  }
0x1: {  	s8 =	rddreg [dreg:$0x0];
	s1 =	stileid.u32  }
0x2: {  	s2 =	srdreg.scid;
	s0 =	rddreg [dreg:$0x1]  }
0x3: {  	_ =	strace $0x80000056;
	s5 =	simm.s32 $0x1;
	s9 =	simm.s32 $0x1  }
0x4: {  	s10 =	simm.s32 $0x3;
	s2 =	sand.u32 $0x1, s2;
	s3 =	sshll.u32 s1, $0x1  }
0x5: {  	s13 =	simm.s32 $0x0;
	s12 =	simm.s32 $0x0;
	s6 =	sor.u32 s3, s2  }
0x6: {  	[sflag:s5] =	ssyncpa.u1 $0x0;
	s2 =	sadd.s32 $0x86400, s8;
	s4 =	smul.u32 $0x1400, s6  }
0x7: {  	s3 =	sadd.s32 $0x80000, s8;
	p0 =	slt.u32 s6, $0x9;
	s6 =	simm.s32 $0x28000  }
.Ltmp0:
0x8: {  	s6 =	simm.s32 @!p0 $0x0;
	s7 =	ssub.s32 $0x32000, s4;
	(pc) =	sbr.rel .LBB2_1-.Ltmp0, $4  }
0x9: {  	s9 =	simm.s32 @!p0 $0x0;
	p0 =	sne.s32 s7, s6;
	s7 =	simm.s32 $0x1  }
0xa: {  	s8 =	sadd.s32 $0x106400, s8;
	s6 =	simm.s32 $0x2;
	s7 =	simm.s32 @!p0 $0x0  }
0xb: {  	s11 =	smov.u32 s4;
	[sflag:s6] =	ssyncpa.u1 $0x0;
	s7 =	sadd.s32 s9, s7  }
0xc: {  	vm0 =	vmmov $0xffff;
	[sflag:s10] =	ssyncpa.u1 $0x0;
	s10 =	simm.s32 $0x0;
	s9 =	sadd.s32 $0x1, s7  }
.LBB2_4:
0xd: {  	vm1 =	veq.s32 v0, $0x80000000;
	v63 =	vand.u32 $0x3FF, v0;
	v2 =	vand.u32 $0xFFF, v2  }
0xe: {  	v0 =	vsel vm1, $0xFFFFFFFF, v63;
	v2 =	vsel vm1, $0xFFFFFFFF, v2  }
0xf: {  	v3 =	vshll.u32 v2, $0xA;
	v4 =	vshll.u32 v0, $0x3  }
0x10: {  	v2 =	vshll.u32 v2, $0x7;
	v3 =	vand.u32 $0xFFFFE000, v3;
	v4 =	vand.u32 $0xFFFFFC00, v4  }
0x11: {  	v2 =	vand.u32 $0x380, v2;
	v3 =	vadd.s32 v4, v3  }
0x12: {  	v0 =	vand.u32 $0x7F, v0;
	v2 =	vor.u32 v2, v3  }
0x13: {  	v0 =	vor.u32 v0, v2;
	_ =	sdelay $0x1  }
0x14: {  	(ifvalue) =	ssetifvalue $0x7FFFFFFF;
	s15 =	sadd.s32 $0x10, s15  }
0x15: {  	[tilespmem:s15], [sflag:$0x1] =	stream.indirect_vreg.gather [hbm4b:s2+s10], $0x1, v1, vm0, $0x4038;
	[tilespmem:$0x5000] =	vst v63  }
0x16: {  	(ifvalue) =	ssetifvalue $0x7FFFFFFF;
	s15 =	sadd.s32 $0x10, s15  }
0x17: {  	[tilespmem:s15], [sflag:$0x1] =	stream.indirect_vreg.gather [hbm4b:s2+s10], $0x1, v0, vm0, $0x4038;
	[tilespmem:$0x5000] =	vst v63  }
0x18: {  	_ =	swait.ge [sflag:s5], $0x1400  }
0x19: {  	s30 =	sshrl.u32 s13, $0x3;
	[sflag:s5] =	ssyncset.done $0x0  }
0x1a: {  	s31 =	sand.u32 $0x7, s13;
	s15 =	sadd.s32 s8, s30;
	[sflag:s5] =	ssyncadd.s32 $0xFFFFEC00  }
0x1b: {  	[hbm4b:s15+s31] =	stream.linear.scatter [tilespmem:s14], [sflag:$0x3], $0x1400, $0x38;
	[tilespmem:$0x5000] =	vst v63  }
.LBB2_5:
0x1c: {  	s15 =	sadd.s32 $0x28000, s11  }
0x1d: {  	p1 =	sgt.s32 s15, $0x31FFF  }
0x1e: {  	s15 =	smov.u32 @p1 s4;
	p1 =	sne.s32 s12, s9  }
.Ltmp1:
0x1f: {  	p0 =	slt.u32 s12, $0x2;
	(pc) =	sbr.rel @!p1 .LBB2_6-.Ltmp1, $4  }
0x20: {  	s14 =	simm.s32 @!p0 $0x3  }
0x21: {  	_ =	swait.ge @!p0 [sflag:s14], $0x1400  }
0x22: {  	s16 =	sadd.s32 $0x1, s12;
	s13 =	smov.u32 s11;
	[sflag:s14] =	ssyncset.done @!p0 $0x0  }
0x23: {  	s12 =	smov.u32 s16;
	s11 =	smov.u32 s15;
	[sflag:s14] =	ssyncadd.s32 @!p0 $0xFFFFEC00  }
.LBB2_1:
0x24: {  	p0 =	sge.u32 s12, s7  }
0x25: {  	s14 =	sxor.u32 @!p0 $0x1, s12  }
0x26: {  	s14 =	smul.u32 @!p0 $0x5000, s14  }
0x27: {  	s31 =	sadd.s32 $0xFFFFFFFF, s12;
	s15 =	sshrl.u32 @!p0 s11, $0x3  }
0x28: {  	s16 =	sand.u32 @!p0 $0x7, s11;
	s15 =	sadd.s32 @!p0 s3, s15;
	s14 =	sshra.s32 @!p0 s14, $0x2  }
0x29: {  	[tilespmem:s14], [sflag:$0x2] =	stream.linear.gather @!p0 [hbm4b:s15+s16], $0x1400, $0x38;
	[tilespmem:$0x5000] =	vst v63  }
0x2a: {  	p0 =	sge.u32 s31, s7  }
.Ltmp2:
0x2b: {  	_ = 	snop;
	(pc) =	sbr.rel @p0 .LBB2_5-.Ltmp2, $1  }
0x2c: {  	_ =	sdelay $0x3  }
0x2d: {  	s14 =	sand.u32 $0x1, s12  }
0x2e: {  	_ =	swait.ge [sflag:s6], $0x1400;
	p0 =	seq.s32 s14, $0x1;
	s14 =	simm.s32 $0x1400  }
0x2f: {  	[sflag:s6] =	ssyncset.done $0x0;
	s14 =	simm.s32 @!p0 $0x0  }
0x30: {  	[sflag:s6] =	ssyncadd.s32 $0xFFFFEC00;
	(ifvalue) =	ssetifvalue $0x7FFFFFFF;
	v0 =	vld.msk [tilespmem:s14+$0x0 ss:$0x1], $0xffff;
	_ =	sdelay $0x4  }
0x31: {  	s15 =	sadd.s32 $0x10, s14;
	v1 =	vshrl.u32 v0, $0xA  }
0x32: {  	v2 =	vld.msk [tilespmem:s15+$0x0 ss:$0x1], $0xffff;
	vm1 =	veq.s32 v0, $0x80000000;
	v0 =	vand.u32 $0x3FF, v0;
	v1 =	vand.u32 $0xFFF, v1  }
0x33: {  	v0 =	vsel vm1, $0xFFFFFFFF, v0;
	v1 =	vsel vm1, $0xFFFFFFFF, v1  }
0x34: {  	v4 =	vshll.u32 v0, $0x3;
	v3 =	vshll.u32 v1, $0xA  }
0x35: {  	v4 =	vand.u32 $0xFFFFFC00, v4;
	v1 =	vshll.u32 v1, $0x7;
	v3 =	vand.u32 $0xFFFFE000, v3  }
0x36: {  	v0 =	vand.u32 $0x7F, v0;
	v1 =	vand.u32 $0x380, v1;
	v3 =	vadd.s32 v4, v3  }
0x37: {  	vm1 =	veq.s32 v2, $0x80000000;
	v1 =	vor.u32 v1, v3;
	v3 =	vshrl.u32 v2, $0xA  }
0x38: {  	s15 =	sadd.s32 $0x10, s15;
	v2 =	vand.u32 $0x3FF, v2;
	v1 =	vor.u32 v0, v1;
	v3 =	vand.u32 $0xFFF, v3  }
0x39: {  	v0 =	vld.msk [tilespmem:s15+$0x0 ss:$0x1], $0xffff;
	v2 =	vsel vm1, $0xFFFFFFFF, v2;
	v3 =	vsel vm1, $0xFFFFFFFF, v3  }
0x3a: {  	v5 =	vshll.u32 v2, $0x3;
	v63 =	vshll.u32 v3, $0xA  }
0x3b: {  	v5 =	vand.u32 $0xFFFFFC00, v5;
	v3 =	vshll.u32 v3, $0x7;
	v4 =	vand.u32 $0xFFFFE000, v63  }
0x3c: {  	s14 =	sor.u32 $0x2800, s14;
	(ifvalue) =	ssetifvalue $0x7FFFFFFF;
	v3 =	vand.u32 $0x380, v3;
	v4 =	vadd.s32 v5, v4  }
0x3d: {  	[tilespmem:s14], [sflag:$0x1] =	stream.indirect_vreg.gather [hbm4b:s2+s10], $0x1, v1, vm0, $0x4038;
	v1 =	vand.u32 $0x7F, v2;
	v3 =	vor.u32 v3, v4;
	[tilespmem:$0x5000] =	vst v63  }
0x3e: {  	s16 =	simm.s32 $0x20;
	s17 =	sadd.s32 $0x10, s15;
	s15 =	smov.u32 s14;
	v2 =	vshrl.u32 v0, $0xA;
	v1 =	vor.u32 v1, v3  }
.LBB2_3:
0x3f: {  	s16 =	sadd.s32 $0x10, s16;
	vm1 =	veq.s32 v0, $0x80000000;
	v3 =	vand.u32 $0x3FF, v0;
	v0 =	vld.msk [tilespmem:s17+$0x0 ss:$0x1], $0xffff;
	v2 =	vand.u32 $0xFFF, v2  }
0x40: {  	p0 =	slt.u32 s16, $0x13F0;
	v3 =	vsel vm1, $0xFFFFFFFF, v3;
	v2 =	vsel vm1, $0xFFFFFFFF, v2  }
.Ltmp3:
0x41: {  	v4 =	vshll.u32 v2, $0xA;
	v5 =	vshll.u32 v3, $0x3;
	(pc) =	sbr.rel @p0 .LBB2_3-.Ltmp3, $4  }
0x42: {  	s15 =	sadd.s32 $0x10, s15;
	v2 =	vshll.u32 v2, $0x7;
	v4 =	vand.u32 $0xFFFFE000, v4;
	v5 =	vand.u32 $0xFFFFFC00, v5;
	(ifvalue) =	ssetifvalue $0x7FFFFFFF  }
0x43: {  	v2 =	vand.u32 $0x380, v2;
	v4 =	vadd.s32 v5, v4;
	[tilespmem:s15], [sflag:$0x1] =	stream.indirect_vreg.gather [hbm4b:s2+s10], $0x1, v1, vm0, $0x4038;
	[tilespmem:$0x5000] =	vst v63  }
0x44: {  	v1 =	vand.u32 $0x7F, v3;
	v3 =	vor.u32 v2, v4  }
0x45: {  	s17 =	sadd.s32 $0x10, s17;
	v2 =	vshrl.u32 v0, $0xA;
	v1 =	vor.u32 v1, v3  }
.Ltmp4:
0x46: {  	_ = 	snop;
	(pc) =	sbr.rel .LBB2_4-.Ltmp4, $1  }
0x47: {  	_ =	sdelay $0x3  }
.LBB2_6:
0x48: {  	_ =	sfence.sel $0x180000  }
0x49: {  	s2 =	simm.s32 $0x2;
	[bflag:$0x0] =	sbarrier.arrive $0xFFFF  }
0x4a: {  	s30 =	simm.s32 $0x3;
	[sflag:s2] =	ssyncpa.u1 $0x1  }
0x4b: {  	s31 =	simm.s32 $0x1;
	[sflag:s30] =	ssyncpa.u1 $0x1  }
0x4c: {  	[sflag:s31] =	ssyncpa.u1 $0x1  }
0x4d: {  	p0 =	sne.s32 s1, $0x0;
	_ =	strace $0x90000056  }
0x4e: {  	s0 =	sadd.s32 @!p0 $0x100000, s0;
	[bflag:$0x2] =	sbarrier.arrive $0xFFFF  }
0x4f: {  	[sflag:s0] =	ssyncadd.tile.s32 @!p0 $0x1;
	_ =	shalt  }
.Lfunc_end2:
_tile_overlayer_lowered:
.L_overlay_start_2:
0x50: {  	(tag) =	ssettag $0x2  }
0x51: {  	s0 =	rddreg [dreg:$0x0];
	s2 =	stileid.u32  }
0x52: {  	s1 =	rddreg [dreg:$0x1];
	p0 =	sne.s32 s2, $0x0  }
0x53: {  	s3 =	rddreg [dreg:$0x2];
	[bflag:$0x3] =	sbarrier.arrive $0xFFFF;
	s2 =	simm.s32 @!p0 $0x1C01  }
0x54: {  	[timem:s3], [sflag:s2] =	dma.local @!p0 [hbm:s0], s1  }
0x55: {  	s0 =	simm.s32 @!p0 $0x1  }
0x56: {  	_ =	swait.ge @!p0 [sflag:s0], s1  }
0x57: {  	s1 =	ssub.s32 @!p0 $0x0, s1;
	[sflag:s0] =	ssyncset.done @!p0 $0x0  }
0x58: {  	[sflag:s0] =	ssyncadd.s32 @!p0 s1  }
0x59: {  	[bflag:$0x3] =	sbarrier.arrive $0xFFFF  }
0x5a: {  	_ =	shalt  }

// kernel: gather_offload_async_start
scs
__scs_entry_jumppad:
0x0: {  	(pc) =	sbr.rel $0x88, $3  }
0x1: {  	(tag) =	ssettag $0x0;
	lr =	simm.s32 $0x1  }
0x2: {  	[smem:$0x3F9E] =	sst lr;
	_ =	strace $0xD0000000  }
0x3: {  	_ = 	snop  }
0x4: {  	_ = 	snop  }
0x5: {  	_ = 	snop  }
0x6: {  	_ = 	snop  }
0x7: {  	_ = 	snop  }
__scs_overlays_trampoline_lowered:
0x8: {  	[smem:$0x3FAD] =	sst s0  }
0x9: {  	[smem:$0x3FAE] =	sst s1  }
0xa: {  	[smem:$0x3FAF] =	sst s2  }
0xb: {  	[smem:$0x3FB0] =	sst s3  }
0xc: {  	[smem:$0x3FB1] =	sst s4  }
0xd: {  	[smem:$0x3FB2] =	sst s5  }
0xe: {  	[smem:$0x3FB3] =	sst s6  }
0xf: {  	[smem:$0x3FB4] =	sst s7  }
0x10: {  	[smem:$0x3FB5] =	sst s8  }
0x11: {  	[smem:$0x3FB6] =	sst s9;
	s0 =	simm.s32 @!p0 $0x0  }
0x12: {  	s1 =	sld [smem:$0x3F9C];
	s0 =	simm.s32 @p0 $0x1  }
0x13: {  	[smem:$0x3FB7] =	sst s0;
	s0 =	simm.s32 @!p1 $0x0  }
0x14: {  	s2 =	sld [smem:$0x3F9B];
	s0 =	simm.s32 @p1 $0x1  }
0x15: {  	[smem:$0x3FB8] =	sst s0;
	s0 =	simm.s32 @!p2 $0x0  }
0x16: {  	s3 =	sld [smem:$0x3FDB];
	s0 =	simm.s32 @p2 $0x1  }
0x17: {  	s4 =	simm.s32 $0x1BF5;
	[smem:$0x3FBA] =	sst s0  }
0x18: {  	s0 =	sld [smem:$0x3F9D];
	_ =	swait.ge [sflag:s4], $0x0  }
0x19: {  	s7 =	sld [smem:$0x3F9E]  }
0x1a: {  	s8 =	sadd.s32 $0xFFFFE003, lr  }
0x1b: {  	s9 =	sadd.s32 $0xFFFFFEF7, lr;
	s5 =	simm.s32 $0xFFFFFFFF;
	p2 =	slt.u32 s8, $0xFFFFF086  }
0x1c: {  	p1 =	slt.u32 s9, $0xF7A;
	s5 =	simm.s32 @!p2 $0x0  }
0x1d: {  	s5 =	simm.s32 @p1 $0x1;
	p0 =	seq.s32 s7, s2  }
0x1e: {  	s7 =	smul.u32 @!p0 $0xF7A, s2;
	p2 =	seq.s32 @!p0 s5, $0x0  }
0x1f: {  	s9 =	smul.u32 $0xF7A, s1;
	s8 =	simm.s32 @!p0 $0x1BF5;
	p2 =	por !p2, p0  }
0x20: {  	[sflag:s8] =	ssyncset.s32 @!p0 $0xFFFFF086;
	s6 =	sadd.s32 @!p0 s3, s7;
	s7 =	simm.s32 @!p0 $0x108  }
0x21: {  	s3 =	sadd.s32 s3, s9;
	s6 =	sadd.s32 @!p0 $0x88, s6;
	s7 =	simm.s32 @p2 $0x1082  }
0x22: {  	[simem:s7], [sflag:s8] =	dma.local @!p0 [hbm:s6], $0xF7A  }
0x23: {  	s9 =	sor.u32 $0xD0000000, s2;
	s6 =	simm.s32 $0x108;
	_ =	swait.ge @!p0 [sflag:s8], $0x0  }
0x24: {  	s3 =	sadd.s32 $0x88, s3;
	s6 =	simm.s32 @!p1 $0x1082;
	[sflag:s4] =	ssyncset.s32 $0xFFFFF086  }
0x25: {  	[simem:s6], [sflag:s4] =	dma.local [hbm:s3], $0xF7A  }
0x26: {  	[smem:$0x3F9E] =	sst s1;
	(tag) =	ssettag s2;
	_ =	strace s9  }
0x27: {  	s1 =	sld [smem:$0x3FAE]  }
0x28: {  	s2 =	sld [smem:$0x3FAF]  }
0x29: {  	s4 =	sld [smem:$0x3FB1]  }
0x2a: {  	p0 =	seq.s32 s5, $0x0;
	s5 =	sld [smem:$0x3FB2]  }
0x2b: {  	s6 =	sld [smem:$0x3FB3]  }
0x2c: {  	s7 =	sld [smem:$0x3FB4]  }
0x2d: {  	s3 =	simm.s32 $0x108;
	s8 =	sld [smem:$0x3FB5]  }
0x2e: {  	s3 =	simm.s32 @!p0 $0x1082;
	s9 =	sld [smem:$0x3FB6]  }
0x2f: {  	lr =	sadd.s32 s0, s3;
	s0 =	sld [smem:$0x3FAD]  }
0x30: {  	s3 =	sld [smem:$0x3FB0]  }
0x31: {  	[smem:$0x3FB9] =	sst s10  }
0x32: {  	s10 =	sld [smem:$0x3FB7];
	_ =	sdelay $0x3  }
0x33: {  	p0 =	seq.s32 s10, $0x1;
	s10 =	sld [smem:$0x3FB9];
	_ =	sdelay $0x3  }
0x34: {  	[smem:$0x3FB9] =	sst s10  }
0x35: {  	s10 =	sld [smem:$0x3FB8];
	_ =	sdelay $0x3  }
0x36: {  	p1 =	seq.s32 s10, $0x1;
	s10 =	sld [smem:$0x3FB9];
	_ =	sdelay $0x3  }
0x37: {  	[smem:$0x3FB9] =	sst s10  }
0x38: {  	s10 =	sld [smem:$0x3FBA]  }
0x39: {  	_ = 	snop;
	(pc) =	sbr.ind lr, $3  }
0x3a: {  	_ = 	snop  }
0x3b: {  	_ = 	snop  }
0x3c: {  	p2 =	seq.s32 s10, $0x1;
	s10 =	sld [smem:$0x3FB9]  }
0x3d: {  	_ =	shalt  }
0x3e: {  	_ =	shalt  }
0x3f: {  	_ =	shalt  }
0x40: {  	_ =	shalt  }
0x41: {  	_ =	shalt  }
0x42: {  	_ =	shalt  }
0x43: {  	_ =	shalt  }
0x44: {  	_ =	shalt  }
0x45: {  	_ =	shalt  }
0x46: {  	_ =	shalt  }
0x47: {  	_ =	shalt  }
0x48: {  	_ =	shalt  }
0x49: {  	_ =	shalt  }
0x4a: {  	_ =	shalt  }
0x4b: {  	_ =	shalt  }
0x4c: {  	_ =	shalt  }
0x4d: {  	_ =	shalt  }
0x4e: {  	_ =	shalt  }
0x4f: {  	_ =	shalt  }
0x50: {  	_ =	shalt  }
0x51: {  	_ =	shalt  }
0x52: {  	_ =	shalt  }
0x53: {  	_ =	shalt  }
0x54: {  	_ =	shalt  }
0x55: {  	_ =	shalt  }
0x56: {  	_ =	shalt  }
0x57: {  	_ =	shalt  }
0x58: {  	_ =	shalt  }
0x59: {  	_ =	shalt  }
0x5a: {  	_ =	shalt  }
0x5b: {  	_ =	shalt  }
0x5c: {  	_ =	shalt  }
0x5d: {  	_ =	shalt  }
0x5e: {  	_ =	shalt  }
0x5f: {  	_ =	shalt  }
0x60: {  	_ =	shalt  }
0x61: {  	_ =	shalt  }
0x62: {  	_ =	shalt  }
0x63: {  	_ =	shalt  }
0x64: {  	_ =	shalt  }
0x65: {  	_ =	shalt  }
0x66: {  	_ =	shalt  }
0x67: {  	_ =	shalt  }
0x68: {  	_ =	shalt  }
0x69: {  	_ =	shalt  }
0x6a: {  	_ =	shalt  }
0x6b: {  	_ =	shalt  }
0x6c: {  	_ =	shalt  }
0x6d: {  	_ =	shalt  }
0x6e: {  	_ =	shalt  }
0x6f: {  	_ =	shalt  }
0x70: {  	_ =	shalt  }
0x71: {  	_ =	shalt  }
0x72: {  	_ =	shalt  }
0x73: {  	_ =	shalt  }
0x74: {  	_ =	shalt  }
0x75: {  	_ =	shalt  }
0x76: {  	_ =	shalt  }
0x77: {  	_ =	shalt  }
0x78: {  	_ =	shalt  }
0x79: {  	_ =	shalt  }
0x7a: {  	_ =	shalt  }
0x7b: {  	_ =	shalt  }
0x7c: {  	_ =	shalt  }
0x7d: {  	_ =	shalt  }
0x7e: {  	_ =	shalt  }
0x7f: {  	_ =	shalt  }
0x80: {  	_ =	shalt  }
0x81: {  	_ =	shalt  }
0x82: {  	_ =	shalt  }
0x83: {  	_ =	shalt  }
0x84: {  	_ =	shalt  }
0x85: {  	_ =	shalt  }
0x86: {  	_ =	shalt  }
0x87: {  	_ =	shalt  }
.Lfunc_end0:
.L_simem_size_0:
called_computation.2_lowered:
.L_overlay_start_0:
0x88: {  	s2 =	sld [smem:$0x3FD9]  }
0x89: {  	s3 =	sld [smem:$0x3FFE];
	_ =	sdelay $0x1  }
0x8a: {  	s1 =	srdreg.scid  }
0x8b: {  	s0 =	sand.u32 $0x1, s1  }
0x8c: {  	s17 =	sshll.u32 s0, $0xA;
	s2 =	sadd.s32 s3, s2  }
0x8d: {  	s2 =	sadd.s32 s2, s17  }
0x8e: {  	[smem:$0x3FC5] =	sst s2  }
0x8f: {  	_ = 	snop  }
0x90: {  	s2 =	sld [smem:$0x3FD0];
	(tm) =	ssettm $0x1  }
0x91: {  	s18 =	sld [smem:$0x3FFB];
	_ =	sdelay $0x3  }
0x92: {  	_ =	strace s18  }
0x93: {  	s3 =	sld [smem:$0x3FFC];
	_ =	sdelay $0x3  }
0x94: {  	_ =	strace s3  }
0x95: {  	s3 =	sld [smem:$0x3FFD];
	_ =	sdelay $0x3  }
0x96: {  	_ =	strace s3  }
0x97: {  	_ =	strace $0x8FFFFFFF  }
0x98: {  	s19 =	sld [smem:$0x3FDB];
	_ =	sdelay $0x1  }
0x99: {  	s4 =	simm.s32 $_scs_section_size  }
0x9a: {  	s5 =	simm.s32 $_size__tile_overlayer_lowered;
	s6 =	simm.s32 $_tile_overlayer_lowered  }
0x9b: {  	s22 =	simm.s32 $0x1BFF;
	s21 =	sshll.u32 s6, $0x1;
	s3 =	sadd.s32 s4, s19  }
0x9c: {  	s7 =	simm.s32 $0x0;
	s20 =	sshll.u32 s5, $0x1;
	s5 =	sadd.s32 s21, s3  }
0x9d: {  	[timem:s7], [sflag:s22] =	dma.local [hbm:s5], s20  }
0x9e: {  	_ =	swait.ge [sflag:s22], s20  }
0x9f: {  	s4 =	ssub.s32 $0x0, s20;
	[sflag:s22] =	ssyncset.done $0x0  }
0xa0: {  	[sflag:s22] =	ssyncadd.s32 s4;
	_ =	sdelay $0x1  }
0xa1: {  	s23 =	simm.s32 $0x1B8B  }
0xa2: {  	_ =	swait.ge [sflag:s23], $0x1  }
0xa3: {  	[sflag:s23] =	ssyncset.done $0x0  }
0xa4: {  	s25 =	simm.s32 $0x1B8E;
	s24 =	sld [smem:$0x3FFE];
	[sflag:s23] =	ssyncadd.s32 $0xFFFFFFFF  }
0xa5: {  	s26 =	simm.s32 $execute0_lowered;
	[smem:$0x3FD2] =	sst s25  }
0xa6: {  	s5 =	sshll.u32 s26, $0x1;
	_ =	strace $0x80000049;
	[dreg:$0x1] =	wrdreg $0xFFFFFFFF  }
0xa7: {  	s28 =	simm.s32 $_size_execute0_lowered;
	s3 =	sadd.s32 s3, s5;
	[dreg:$0x0] =	wrdreg $0x0  }
0xa8: {  	s5 =	sshll.u32 s28, $0x1;
	[dreg:$0x2] =	wrdreg s3  }
0xa9: {  	[dreg:$0x3] =	wrdreg s5  }
0xaa: {  	[dreg:$0x4] =	wrdreg $0xC0  }
0xab: {  	_ =	task [dreg:s7], $0x5FFFF  }
0xac: {  	[dreg:$0x1] =	wrdreg $0xFFFFFFFF  }
0xad: {  	[dreg:$0x0] =	wrdreg $0x60  }
0xae: {  	[dreg:$0x2] =	wrdreg s24  }
0xaf: {  	[dreg:$0x3] =	wrdreg s2  }
0xb0: {  	[dreg:$0x4] =	wrdreg $0x9  }
0xb1: {  	_ =	task.clear_ibuf [dreg:s7], $0x5FFFF;
	_ =	strace $0x90000049  }
0xb2: {  	s29 =	simm.s32 $0x9;
	_ =	strace $0x8000004B  }
0xb3: {  	_ =	swait.ge [sflag:s29], $0x1  }
0xb4: {  	[sflag:s29] =	ssyncadd.s32 $0xFFFFFFFF  }
0xb5: {  	_ =	strace $0x9000004B  }
0xb6: {  	_ =	sfence  }
0xb7: {  	s30 =	sld [smem:$0x0];
	_ =	sdelay $0x2  }
0xb8: {  	s31 =	sshll.u32 s1, $0xD;
	s1 =	sshrl.u32 s1, $0x2  }
0xb9: {  	s3 =	sand.u32 $0x4000, s31;
	s1 =	sadd.s32 s1, s30  }
0xba: {  	s0 =	sor.u32 s3, s0;
	s1 =	sshll.u32 s1, $0x11  }
0xbb: {  	s0 =	sor.u32 s1, s0  }
0xbc: {  	s0 =	sadd.s32 $0x8F2B, s0  }
0xbd: {  	[sflag:s0] =	ssyncadd.remote.s32 $0x1  }
0xbe: {  	_ =	sfence.sel $0xFFFF  }
0xbf: {  	[dreg:$0x0] =	wrdreg $0xFFFFFFFF;
	(pc) =	sbr.abs _section_cstart, $3  }
0xc0: {  	[dreg:$0x1] =	wrdreg $0xFFFFFFFF  }
0xc1: {  	_ =	task.clear_ibuf [dreg:s7], $0x2FFFF;
	_ =	strace $0x9FFFFFFF  }
0xc2: {  	(tm) =	ssettm $0x7FFFFFFF  }
0xc3: {  	_ =	shalt  }
tec
execute0_lowered:
.L_overlay_start_1:
0x0: {  	(tag) =	ssettag $0x1  }
0x1: {  	s7 =	rddreg [dreg:$0x0]  }
0x2: {  	s2 =	rddreg [dreg:$0x1]  }
0x3: {  	s0 =	rddreg [dreg:$0x2]  }
0x4: {  	s1 =	srdreg.scid;
	_ =	strace $0x8000004A;
	s4 =	simm.s32 $0x1  }
0x5: {  	s9 =	simm.s32 $0x3;
	s11 =	simm.s32 $0x0;
	s5 =	sshll.u32 s1, $0x4  }
.Ltmp0:
0x6: {  	s1 =	stileid.u32;
	s5 =	sand.u32 $0x10, s5;
	(pc) =	sbr.rel .LBB2_1-.Ltmp0, $4  }
0x7: {  	p0 =	por $0x0, $0x0;
	s3 =	sadd.s32 $0xD04000, s7;
	s6 =	sor.u32 s1, s5  }
0x8: {  	[sflag:s4] =	ssyncpa.u1 $0x0;
	s5 =	simm.s32 $0x2;
	s6 =	sshll.u32 s6, $0xD  }
0x9: {  	s7 =	sadd.s32 $0x10000, s7;
	[sflag:s5] =	ssyncpa.u1 $0x0;
	s8 =	sadd.s32 $0x2000, s6  }
0xa: {  	vm0 =	vmmov $0xff;
	vm1 =	vcmask $0x3F20;
	[sflag:s9] =	ssyncpa.u1 $0x0;
	s10 =	smov.u32 s6;
	s9 =	simm.s32 $0x0  }
.LBB2_7:
0xb: {  	p1 =	slt.u32 s9, $0x2;
	s11 =	sadd.s32 $0x100, s10  }
0xc: {  	s13 =	smov.u32 s6;
	s9 =	sadd.s32 $0x1, s9;
	p2 =	slt.s32 s11, s8  }
0xd: {  	s13 =	smov.u32 @p2 s11;
	p2 =	sne.s32 s9, $0x22  }
.Ltmp1:
0xe: {  	_ = 	snop;
	(pc) =	sbr.rel @!p2 .LBB2_8-.Ltmp1, $4  }
0xf: {  	s12 =	simm.s32 @!p1 $0x3  }
0x10: {  	_ =	swait.ge @!p1 [sflag:s12], $0x8000  }
0x11: {  	p0 =	por !p0, !p0;
	[sflag:s12] =	ssyncset.done @!p1 $0x0  }
0x12: {  	s11 =	smov.u32 s10;
	s10 =	smov.u32 s13;
	[sflag:s12] =	ssyncadd.s32 @!p1 $0xFFFF8000  }
.LBB2_1:
0x13: {  	p1 =	sgt.u32 s9, $0x1F  }
0x14: {  	s12 =	sxor.u32 @!p1 $0xFFFFFFFF, s9  }
0x15: {  	s13 =	sshrl.u32 @!p1 s10, $0x3;
	s12 =	sshll.u32 @!p1 s12, $0x8  }
0x16: {  	s14 =	sand.u32 @!p1 $0x7, s10;
	s13 =	sadd.s32 @!p1 s2, s13;
	s12 =	sand.u32 @!p1 $0x100, s12  }
0x17: {  	[tilespmem:s12], [sflag:$0x2] =	stream.linear.gather @!p1 [hbm4b:s13+s14], $0x100, $0x38;
	[tilespmem:$0x10200] =	vst v63  }
0x18: {  	p1 =	seq.s32 s9, $0x0  }
0x19: {  	p2 =	seq.s32 @!p1 s9, $0x21  }
0x1a: {  	p1 =	por p1, p2  }
.Ltmp2:
0x1b: {  	_ = 	snop;
	(pc) =	sbr.rel @p1 .LBB2_7-.Ltmp2, $1  }
0x1c: {  	_ =	sdelay $0x3  }
0x1d: {  	s12 =	simm.s32 $0x1  }
0x1e: {  	_ =	swait.ge [sflag:s5], $0x100;
	s12 =	simm.s32 @!p0 $0x0  }
0x1f: {  	[sflag:s5] =	ssyncset.done $0x0;
	s14 =	sshll.u32 s12, $0x8  }
0x20: {  	[sflag:s5] =	ssyncadd.s32 $0xFFFFFF00;
	s13 =	sadd.s32 $0x0, s14  }
0x21: {  	v0 =	vld.msk [tilespmem:s13+$0x0 ss:$0x1], $0xffff;
	_ =	sdelay $0x4  }
0x22: {  	v1 =	vand.u32 $0x3FF, v0;
	v2 =	vshrl.u32 v0, $0x3  }
0x23: {  	vm2 =	veq.s32 v0, $0x80000000;
	v0 =	vmul.u32 $0x18800, v1;
	v1 =	vand.u32 $0x1FF80, v2  }
0x24: {  	v1 =	vsel vm2, $0xFFFFFF80, v1  }
0x25: {  	v0 =	vsel vm2, $0xFFFE7800, v0;
	v2 =	vand.u32 $0xFFFFFC00, v1  }
0x26: {  	v1 =	vand.u32 $0x380, v1;
	v0 =	vadd.s32 v0, v2  }
0x27: {  	v0 =	vor.u32 v1, v0  }
0x28: {  	v0 =	vshrl.u32 v0, $0x3;
	_ =	sdelay $0x2  }
0x29: {  	s12 =	sshll.u32 s12, $0xF  }
0x2a: {  	s12 =	sor.u32 $0x200, s12  }
0x2b: {  	[tilespmem:s12], [sflag:$0x1] =	stream.indirect_vreg.gather [hbm:s3], $0x80, v0, vm0, $0x38;
	[tilespmem:$0x10200] =	vst v63  }
0x2c: {  	s15 =	sadd.s32 $0x10, s14;
	s13 =	sadd.s32 $0x400, s12  }
0x2d: {  	[tilespmem:s13], [sflag:$0x1] =	stream.indirect_vreg.gather [hbm:s3], $0x80, v0, vm1, $0x38;
	[tilespmem:$0x10200] =	vst v63  }
0x2e: {  	s16 =	simm.s32 $0x80;
	v0 =	vld.msk [tilespmem:s15+$0x0 ss:$0x1], $0xffff;
	s15 =	smov.u32 s12  }
.LBB2_3:
0x2f: {  	p1 =	sne.s32 s16, $0x3C0;
	_ =	sdelay $0x4  }
0x30: {  	v1 =	vand.u32 $0x3FF, v0;
	v2 =	vshrl.u32 v0, $0x3  }
0x31: {  	vm2 =	veq.s32 v0, $0x80000000;
	v0 =	vmul.u32 $0x18800, v1;
	v1 =	vand.u32 $0x1FF80, v2  }
0x32: {  	v1 =	vsel vm2, $0xFFFFFF80, v1  }
0x33: {  	v0 =	vsel vm2, $0xFFFE7800, v0;
	v2 =	vand.u32 $0xFFFFFC00, v1  }
0x34: {  	v1 =	vand.u32 $0x380, v1;
	v0 =	vadd.s32 v0, v2  }
0x35: {  	v0 =	vor.u32 v1, v0  }
0x36: {  	v0 =	vshrl.u32 v0, $0x3;
	_ =	sdelay $0x3  }
.Ltmp3:
0x37: {  	s17 =	sshra.s32 s16, $0x2;
	s15 =	sadd.s32 $0x800, s15;
	(pc) =	sbr.rel @p1 .LBB2_3-.Ltmp3, $4  }
0x38: {  	[tilespmem:s15], [sflag:$0x1] =	stream.indirect_vreg.gather [hbm:s3], $0x80, v0, vm0, $0x38;
	[tilespmem:$0x10200] =	vst v63  }
0x39: {  	s17 =	sadd.s32 s17, s14;
	s18 =	sadd.s32 $0x400, s15  }
0x3a: {  	[tilespmem:s18], [sflag:$0x1] =	stream.indirect_vreg.gather [hbm:s3], $0x80, v0, vm1, $0x38;
	[tilespmem:$0x10200] =	vst v63  }
0x3b: {  	s16 =	sadd.s32 $0x40, s16;
	v0 =	vld.msk [tilespmem:s17+$0x0 ss:$0x1], $0xffff  }
0x3c: {  	_ =	sdelay $0x3  }
0x3d: {  	v1 =	vand.u32 $0x3FF, v0;
	v2 =	vshrl.u32 v0, $0x3  }
0x3e: {  	vm2 =	veq.s32 v0, $0x80000000;
	v61 =	vmul.u32 $0x18800, v1;
	v62 =	vand.u32 $0x1FF80, v2  }
0x3f: {  	v1 =	vsel vm2, $0xFFFFFF80, v62  }
0x40: {  	v0 =	vsel vm2, $0xFFFE7800, v61;
	v63 =	vand.u32 $0xFFFFFC00, v1  }
0x41: {  	v1 =	vand.u32 $0x380, v1;
	v0 =	vadd.s32 v0, v63  }
0x42: {  	v0 =	vor.u32 v1, v0  }
0x43: {  	v0 =	vshrl.u32 v0, $0x3;
	_ =	sdelay $0x3  }
0x44: {  	s14 =	sadd.s32 $0x800, s15  }
0x45: {  	[tilespmem:s14], [sflag:$0x1] =	stream.indirect_vreg.gather [hbm:s3], $0x80, v0, vm0, $0x38;
	[tilespmem:$0x10200] =	vst v63  }
0x46: {  	s14 =	sadd.s32 $0x400, s14  }
0x47: {  	[tilespmem:s14], [sflag:$0x1] =	stream.indirect_vreg.gather [hbm:s3], $0x80, v0, vm1, $0x38;
	[tilespmem:$0x10200] =	vst v63  }
0x48: {  	s11 =	sshll.u32 s11, $0x4;
	_ =	swait.ge [sflag:s4], $0x8000  }
0x49: {  	s11 =	sadd.s32 s11, s7;
	[sflag:s4] =	ssyncset.done $0x0  }
0x4a: {  	s15 =	sadd.s32 $0x0, s11;
	s14 =	simm.s32 $0x80;
	[sflag:s4] =	ssyncadd.s32 $0xFFFF8000  }
.LBB2_5:
0x4b: {  	[hbm:s15] =	stream.linear.scatter [tilespmem:s12], [sflag:$0x3], $0x400, $0x38;
	[tilespmem:$0x10200] =	vst v63  }
0x4c: {  	s15 =	smov.u32 s14;
	s12 =	smov.u32 s13;
	p1 =	sne.s32 s14, $0xF80  }
.Ltmp4:
0x4d: {  	s14 =	sadd.s32 $0x80, s14;
	(pc) =	sbr.rel @p1 .LBB2_5-.Ltmp4, $2  }
0x4e: {  	_ =	sdelay $0x2  }
0x4f: {  	s13 =	sadd.s32 $0x400, s13;
	s15 =	sadd.s32 s15, s11  }
.Ltmp5:
0x50: {  	(pc) =	sbr.rel .LBB2_7-.Ltmp5, $2  }
0x51: {  	_ =	sdelay $0x2  }
0x52: {  	[hbm:s15] =	stream.linear.scatter [tilespmem:s12], [sflag:$0x3], $0x400, $0x38;
	[tilespmem:$0x10200] =	vst v63  }
.LBB2_8:
0x53: {  	_ =	sfence.sel $0x180000  }
0x54: {  	s2 =	simm.s32 $0x2;
	[bflag:$0x0] =	sbarrier.arrive $0xFFFF  }
0x55: {  	s30 =	simm.s32 $0x3;
	[sflag:s2] =	ssyncpa.u1 $0x1  }
0x56: {  	s31 =	simm.s32 $0x1;
	[sflag:s30] =	ssyncpa.u1 $0x1  }
0x57: {  	[sflag:s31] =	ssyncpa.u1 $0x1  }
0x58: {  	p0 =	sne.s32 s1, $0x0;
	_ =	strace $0x9000004A  }
0x59: {  	s0 =	sadd.s32 @!p0 $0x100000, s0;
	[bflag:$0x2] =	sbarrier.arrive $0xFFFF  }
0x5a: {  	[sflag:s0] =	ssyncadd.tile.s32 @!p0 $0x1;
	_ =	shalt  }
.Lfunc_end2:
_tile_overlayer_lowered:
.L_overlay_start_2:
0x5b: {  	(tag) =	ssettag $0x2  }
0x5c: {  	s0 =	rddreg [dreg:$0x0];
	s2 =	stileid.u32  }
0x5d: {  	s1 =	rddreg [dreg:$0x1];
	p0 =	sne.s32 s2, $0x0  }
0x5e: {  	s3 =	rddreg [dreg:$0x2];
	[bflag:$0x3] =	sbarrier.arrive $0xFFFF;
	s2 =	simm.s32 @!p0 $0x1C01  }
0x5f: {  	[timem:s3], [sflag:s2] =	dma.local @!p0 [hbm:s0], s1  }
0x60: {  	s0 =	simm.s32 @!p0 $0x1  }
0x61: {  	_ =	swait.ge @!p0 [sflag:s0], s1  }
0x62: {  	s1 =	ssub.s32 @!p0 $0x0, s1;
	[sflag:s0] =	ssyncset.done @!p0 $0x0  }
0x63: {  	[sflag:s0] =	ssyncadd.s32 @!p0 s1  }
0x64: {  	[bflag:$0x3] =	sbarrier.arrive $0xFFFF  }
0x65: {  	_ =	shalt  }

// kernel: sparse-core-data-format-call.1.cloned.1.call-start
scs
called_computation.1_lowered:
.L_overlay_start_0:
0x0: {  	s1 =	sld [smem:$0x3FD9]  }
0x1: {  	s2 =	sld [smem:$0x3FFE];
	_ =	sdelay $0x1  }
0x2: {  	s3 =	srdreg.scid  }
0x3: {  	s0 =	sand.u32 $0x1, s3  }
0x4: {  	s17 =	sshll.u32 s0, $0xA;
	s1 =	sadd.s32 s2, s1  }
0x5: {  	s1 =	sadd.s32 s1, s17  }
0x6: {  	[smem:$0x3FC5] =	sst s1  }
0x7: {  	_ = 	snop  }
0x8: {  	(tm) =	ssettm $0x1  }
0x9: {  	s18 =	sld [smem:$0x3FFB];
	_ =	sdelay $0x3  }
0xa: {  	_ =	strace s18  }
0xb: {  	s1 =	sld [smem:$0x3FFC];
	_ =	sdelay $0x3  }
0xc: {  	_ =	strace s1  }
0xd: {  	s1 =	sld [smem:$0x3FFD];
	_ =	sdelay $0x3  }
0xe: {  	_ =	strace s1  }
0xf: {  	_ =	strace $0x8FFFFFFF  }
0x10: {  	s19 =	sld [smem:$0x3FDB];
	_ =	sdelay $0x1  }
0x11: {  	s20 =	simm.s32 $_scs_section_size  }
0x12: {  	s4 =	simm.s32 $_size__tile_overlayer_lowered;
	s5 =	simm.s32 $_tile_overlayer_lowered  }
0x13: {  	s23 =	simm.s32 $0x1BFF;
	s22 =	sshll.u32 s5, $0x1;
	s1 =	sadd.s32 s20, s19  }
0x14: {  	s6 =	simm.s32 $0x0;
	s21 =	sshll.u32 s4, $0x1;
	s4 =	sadd.s32 s22, s1  }
0x15: {  	[timem:s6], [sflag:s23] =	dma.local [hbm:s4], s21  }
0x16: {  	_ =	swait.ge [sflag:s23], s21  }
0x17: {  	s2 =	ssub.s32 $0x0, s21;
	[sflag:s23] =	ssyncset.done $0x0  }
0x18: {  	[sflag:s23] =	ssyncadd.s32 s2;
	_ =	sdelay $0x1  }
0x19: {  	s24 =	simm.s32 $0x1B8B  }
0x1a: {  	_ =	swait.ge [sflag:s24], $0x1  }
0x1b: {  	[sflag:s24] =	ssyncset.done $0x0  }
0x1c: {  	s26 =	simm.s32 $0x1B8E;
	s25 =	sld [smem:$0x3FFE];
	[sflag:s24] =	ssyncadd.s32 $0xFFFFFFFF  }
0x1d: {  	s27 =	simm.s32 $execute0_lowered;
	[smem:$0x3FD2] =	sst s26  }
0x1e: {  	s4 =	sshll.u32 s27, $0x1;
	_ =	strace $0x80000046;
	[dreg:$0x1] =	wrdreg $0xFFFFFFFF  }
0x1f: {  	s28 =	simm.s32 $_size_execute0_lowered;
	s1 =	sadd.s32 s1, s4;
	[dreg:$0x0] =	wrdreg $0x0  }
0x20: {  	s4 =	sshll.u32 s28, $0x1;
	[dreg:$0x2] =	wrdreg s1  }
0x21: {  	[dreg:$0x3] =	wrdreg s4  }
0x22: {  	[dreg:$0x4] =	wrdreg $0xC0  }
0x23: {  	_ =	task [dreg:s6], $0x5FFFF  }
0x24: {  	[dreg:$0x1] =	wrdreg $0xFFFFFFFF  }
0x25: {  	[dreg:$0x0] =	wrdreg $0x60  }
0x26: {  	[dreg:$0x2] =	wrdreg s25  }
0x27: {  	[dreg:$0x3] =	wrdreg $0x9  }
0x28: {  	_ =	task.clear_ibuf [dreg:s6], $0x4FFFF;
	_ =	strace $0x90000046  }
0x29: {  	s29 =	simm.s32 $0x9;
	_ =	strace $0x80000048  }
0x2a: {  	_ =	swait.ge [sflag:s29], $0x1  }
0x2b: {  	[sflag:s29] =	ssyncadd.s32 $0xFFFFFFFF  }
0x2c: {  	_ =	strace $0x90000048  }
0x2d: {  	_ =	sfence  }
0x2e: {  	s30 =	sld [smem:$0x0];
	_ =	sdelay $0x2  }
0x2f: {  	s31 =	sshll.u32 s3, $0xD;
	s3 =	sshrl.u32 s3, $0x2  }
0x30: {  	s2 =	sand.u32 $0x4000, s31;
	s1 =	sadd.s32 s3, s30  }
0x31: {  	s0 =	sor.u32 s2, s0;
	s1 =	sshll.u32 s1, $0x11  }
0x32: {  	s0 =	sor.u32 s1, s0  }
0x33: {  	s0 =	sadd.s32 $0x8F2B, s0  }
0x34: {  	[sflag:s0] =	ssyncadd.remote.s32 $0x1  }
0x35: {  	_ =	sfence.sel $0xFFFF  }
0x36: {  	[dreg:$0x0] =	wrdreg $0xFFFFFFFF;
	(pc) =	sbr.abs _section_cstart, $3  }
0x37: {  	[dreg:$0x1] =	wrdreg $0xFFFFFFFF  }
0x38: {  	_ =	task.clear_ibuf [dreg:s6], $0x2FFFF;
	_ =	strace $0x9FFFFFFF  }
0x39: {  	(tm) =	ssettm $0x7FFFFFFF  }
tec
execute0_lowered:
.L_overlay_start_1:
0x0: {  	(tag) =	ssettag $0x1  }
0x1: {  	s1 =	rddreg [dreg:$0x0]  }
0x2: {  	s0 =	rddreg [dreg:$0x1]  }
0x3: {  	_ =	strace $0x80000047;
	s4 =	srdreg.scid;
	s6 =	simm.s32 $0x2  }
0x4: {  	s11 =	simm.s32 $0x0;
	p0 =	por $0x0, $0x0;
	s7 =	simm.s32 $0x18800  }
.Ltmp0:
0x5: {  	s12 =	simm.s32 $0x0;
	s9 =	simm.s32 $0x0;
	(pc) =	sbr.rel .LBB1_1-.Ltmp0, $4  }
0x6: {  	s2 =	sadd.s32 $0xC4000, s1;
	s3 =	sadd.s32 $0xD04000, s1;
	s5 =	sshll.u32 s4, $0x4  }
0x7: {  	s1 =	stileid.u32;
	s4 =	simm.s32 $0x1;
	s5 =	sand.u32 $0x10, s5  }
0x8: {  	s8 =	simm.s32 $0x0;
	[sflag:s4] =	ssyncpa.u1 $0x0;
	s5 =	sor.u32 s1, s5  }
0x9: {  	[sflag:s6] =	ssyncpa.u1 $0x0;
	s6 =	simm.s32 $0x800;
	s10 =	smov.u32 s5  }
.LBB1_7:
0xa: {  	s13 =	sadd.s32 $0x10, s9  }
0xb: {  	s11 =	sadd.s32 $0x20, s10;
	s15 =	smov.u32 s10;
	p2 =	sgt.s32 s13, $0x30F  }
0xc: {  	p1 =	slt.u32 s8, $0x2;
	s15 =	smov.u32 @p2 s11  }
0xd: {  	s8 =	sadd.s32 $0x1, s8;
	s13 =	simm.s32 @p2 $0x0;
	p2 =	sgt.s32 s15, $0x7F  }
0xe: {  	s15 =	smov.u32 @p2 s5;
	p2 =	sne.s32 s8, $0xC6  }
.Ltmp1:
0xf: {  	_ = 	snop;
	(pc) =	sbr.rel @!p2 .LBB1_8-.Ltmp1, $4  }
0x10: {  	s14 =	simm.s32 @!p1 $0x2  }
0x11: {  	s12 =	smov.u32 s10;
	_ =	swait.ge @!p1 [sflag:s14], $0x4000  }
0x12: {  	p0 =	por !p0, !p0;
	s11 =	smov.u32 s9;
	[sflag:s14] =	ssyncset.done @!p1 $0x0  }
0x13: {  	s9 =	smov.u32 s13;
	[sflag:s14] =	ssyncadd.s32 @!p1 $0xFFFFC000;
	s10 =	smov.u32 s15  }
.LBB1_1:
0x14: {  	p1 =	sgt.u32 s8, $0xC3  }
0x15: {  	s13 =	smul.u32 @!p1 $0x18800, s10  }
0x16: {  	s14 =	sxor.u32 @!p1 $0xFFFFFFFF, s8  }
0x17: {  	s15 =	sshll.u32 @!p1 s9, $0x7;
	s14 =	sshll.u32 @!p1 s14, $0xE;
	s13 =	sadd.s32 @!p1 s2, s13  }
0x18: {  	s14 =	sand.u32 @!p1 $0x4000, s14;
	s13 =	sadd.s32 @!p1 s15, s13;
	s15 =	simm.s32 @!p1 $0x0  }
0x19: {  	[tilespmem:s14], [sflag:$0x1] =	stream.linear.gather @!p1 [hbm4b:s13+s15], $0x4000, $0x38;
	[tilespmem:$0x10000] =	vst v63  }
0x1a: {  	p1 =	seq.s32 s8, $0x0  }
0x1b: {  	p2 =	seq.s32 @!p1 s8, $0xC5  }
0x1c: {  	p1 =	por p1, p2  }
.Ltmp2:
0x1d: {  	_ = 	snop;
	(pc) =	sbr.rel @p1 .LBB1_7-.Ltmp2, $1  }
0x1e: {  	_ =	sdelay $0x3  }
0x1f: {  	s13 =	simm.s32 $0x1;
	_ =	swait.ge [sflag:s4], $0x4000;
	s16 =	sshll.u32 s8, $0xE  }
0x20: {  	s13 =	simm.s32 @!p0 $0x0;
	[sflag:s4] =	ssyncset.done $0x0;
	s31 =	sand.u32 $0x4000, s16  }
0x21: {  	s16 =	simm.s32 $0x0;
	s13 =	sshll.u32 s13, $0xE;
	[sflag:s4] =	ssyncadd.s32 $0xFFFFC000  }
0x22: {  	s14 =	sor.u32 $0x8040, s13;
	s15 =	sor.u32 $0x40, s13;
	s13 =	sor.u32 $0x8000, s31  }
.LBB1_3:
0x23: {  	v0 =	vmov s15;
	_ =	sdelay $0x3  }
0x24: {  	s18 =	simm.s32 $0x0  }
0x25: {  	v6 =	vld.idx.msk [tilespmem:v0+s18+$0x30 ss:$0x1], $0xffff  }
0x26: {  	v7 =	vld.idx.msk [tilespmem:v0+s18+$0xFFFFFFC0 ss:$0x1], $0xffff  }
0x27: {  	v5 =	vld.idx.msk [tilespmem:v0+s18+$0xFFFFFFD0 ss:$0x1], $0xffff  }
0x28: {  	v4 =	vld.idx.msk [tilespmem:v0+s18+$0xFFFFFFE0 ss:$0x1], $0xffff  }
0x29: {  	v3 =	vld.idx.msk [tilespmem:v0+s18+$0xFFFFFFF0 ss:$0x1], $0xffff  }
0x2a: {  	v1 =	vld.idx.msk [tilespmem:v0+s18+$0x0 ss:$0x1], $0xffff  }
0x2b: {  	v2 =	vld.idx.msk [tilespmem:v0+s18+$0x10 ss:$0x1], $0xffff;
	[tilespmem:s14+$0x30] =	vst v6  }
0x2c: {  	s17 =	simm.s32 $0x80;
	s19 =	simm.s32 $0x400;
	[tilespmem:s14+$0xFFFFFFC0] =	vst v7;
	v6 =	vld.idx.msk [tilespmem:v0+s18+$0x20 ss:$0x1], $0xffff;
	s18 =	smov.u32 s14  }
.LBB1_4:
0x2d: {  	p1 =	sne.s32 s19, $0xE00;
	v7 =	vld.idx.msk [tilespmem:v0+s17+$0x30 ss:$0x1], $0xffff;
	[tilespmem:s18+$0xFFFFFFD0] =	vst v5  }
0x2e: {  	v8 =	vld.idx.msk [tilespmem:v0+s17+$0xFFFFFFC0 ss:$0x1], $0xffff;
	[tilespmem:s18+$0xFFFFFFE0] =	vst v4  }
0x2f: {  	v5 =	vld.idx.msk [tilespmem:v0+s17+$0xFFFFFFD0 ss:$0x1], $0xffff;
	[tilespmem:s18+$0xFFFFFFF0] =	vst v3  }
.Ltmp3:
0x30: {  	v4 =	vld.idx.msk [tilespmem:v0+s17+$0xFFFFFFE0 ss:$0x1], $0xffff;
	[tilespmem:s18+$0x0] =	vst v1;
	(pc) =	sbr.rel @p1 .LBB1_4-.Ltmp3, $4  }
0x31: {  	v3 =	vld.idx.msk [tilespmem:v0+s17+$0xFFFFFFF0 ss:$0x1], $0xffff;
	[tilespmem:s18+$0x10] =	vst v2  }
0x32: {  	v1 =	vld.idx.msk [tilespmem:v0+s17+$0x0 ss:$0x1], $0xffff;
	[tilespmem:s18+$0x20] =	vst v6;
	s18 =	sadd.s32 $0x800, s18  }
0x33: {  	v2 =	vld.idx.msk [tilespmem:v0+s17+$0x10 ss:$0x1], $0xffff;
	[tilespmem:s18+$0x30] =	vst v7  }
0x34: {  	[tilespmem:s18+$0xFFFFFFC0] =	vst v8;
	v6 =	vld.idx.msk [tilespmem:v0+s17+$0x20 ss:$0x1], $0xffff;
	s17 =	sshra.s32 s19, $0x2;
	s19 =	sadd.s32 $0x200, s19  }
0x35: {  	_ =	sdelay $0x2  }
0x36: {  	[tilespmem:s18+$0xFFFFFFD0] =	vst v5  }
0x37: {  	v56 =	vld.idx.msk [tilespmem:v0+s17+$0x30 ss:$0x1], $0xffff;
	[tilespmem:s18+$0xFFFFFFE0] =	vst v4  }
0x38: {  	v57 =	vld.idx.msk [tilespmem:v0+s17+$0xFFFFFFC0 ss:$0x1], $0xffff;
	[tilespmem:s18+$0xFFFFFFF0] =	vst v3  }
0x39: {  	v58 =	vld.idx.msk [tilespmem:v0+s17+$0xFFFFFFD0 ss:$0x1], $0xffff;
	[tilespmem:s18+$0x0] =	vst v1  }
0x3a: {  	v59 =	vld.idx.msk [tilespmem:v0+s17+$0xFFFFFFE0 ss:$0x1], $0xffff;
	[tilespmem:s18+$0x10] =	vst v2  }
0x3b: {  	v60 =	vld.idx.msk [tilespmem:v0+s17+$0xFFFFFFF0 ss:$0x1], $0xffff;
	s31 =	sadd.s32 $0x800, s18;
	[tilespmem:s18+$0x20] =	vst v6  }
0x3c: {  	v61 =	vld.idx.msk [tilespmem:v0+s17+$0x0 ss:$0x1], $0xffff;
	[tilespmem:s31+$0x30] =	vst v56  }
0x3d: {  	v62 =	vld.idx.msk [tilespmem:v0+s17+$0x10 ss:$0x1], $0xffff;
	s16 =	sadd.s32 $0x1, s16;
	[tilespmem:s31+$0xFFFFFFC0] =	vst v57  }
0x3e: {  	v63 =	vld.idx.msk [tilespmem:v0+s17+$0x20 ss:$0x1], $0xffff;
	p1 =	sne.s32 s16, $0x10;
	[tilespmem:s31+$0xFFFFFFD0] =	vst v58  }
.Ltmp4:
0x3f: {  	[tilespmem:s31+$0xFFFFFFE0] =	vst v59;
	(pc) =	sbr.rel @p1 .LBB1_3-.Ltmp4, $4  }
0x40: {  	[tilespmem:s31+$0xFFFFFFF0] =	vst v60  }
0x41: {  	[tilespmem:s31+$0x0] =	vst v61  }
0x42: {  	[tilespmem:s31+$0x10] =	vst v62  }
0x43: {  	s14 =	sadd.s32 $0x80, s14;
	s15 =	sadd.s32 $0x400, s15;
	[tilespmem:s31+$0x20] =	vst v63  }
0x44: {  	s11 =	sand.u32 $0x1FFFFFF, s11  }
0x45: {  	s14 =	smulhi.u32 $0x14E5E0B, s11;
	_ =	sdelay $0x1  }
0x46: {  	s12 =	smul.u32 $0x18800, s12;
	s14 =	sshrl.u32 s14, $0x2  }
0x47: {  	s14 =	smul.u32 $0x310, s14  }
.Ltmp5:
0x48: {  	_ = 	snop;
	(pc) =	sbr.rel .LBB1_7-.Ltmp5, $4  }
0x49: {  	s11 =	ssub.s32 s11, s14  }
0x4a: {  	s12 =	sadd.s32 s3, s12;
	s11 =	sshll.u32 s11, $0x4  }
0x4b: {  	s11 =	sadd.s32 s11, s12  }
0x4c: {  	[hbm4b:s11+s6] =	stream.strided.scatter [tilespmem:s13], [sflag:$0x2], $0x4000, s7, s6, $0x38;
	[tilespmem:$0x10000] =	vst v63  }
.LBB1_8:
0x4d: {  	_ =	sfence.sel $0x180000  }
0x4e: {  	s2 =	simm.s32 $0x1;
	[bflag:$0x0] =	sbarrier.arrive $0xFFFF  }
0x4f: {  	s31 =	simm.s32 $0x2;
	[sflag:s2] =	ssyncpa.u1 $0x1  }
0x50: {  	[sflag:s31] =	ssyncpa.u1 $0x1  }
0x51: {  	p0 =	sne.s32 s1, $0x0;
	_ =	strace $0x90000047  }
0x52: {  	s0 =	sadd.s32 @!p0 $0x100000, s0;
	[bflag:$0x2] =	sbarrier.arrive $0xFFFF  }
0x53: {  	[sflag:s0] =	ssyncadd.tile.s32 @!p0 $0x1;
	_ =	shalt  }
.Lfunc_end1:
_tile_overlayer_lowered:
.L_overlay_start_2:
0x54: {  	(tag) =	ssettag $0x2  }
0x55: {  	s0 =	rddreg [dreg:$0x0];
	s2 =	stileid.u32  }
0x56: {  	s1 =	rddreg [dreg:$0x1];
	p0 =	sne.s32 s2, $0x0  }
0x57: {  	s3 =	rddreg [dreg:$0x2];
	[bflag:$0x3] =	sbarrier.arrive $0xFFFF;
	s2 =	simm.s32 @!p0 $0x1C01  }
0x58: {  	[timem:s3], [sflag:s2] =	dma.local @!p0 [hbm:s0], s1  }
0x59: {  	s0 =	simm.s32 @!p0 $0x1  }
0x5a: {  	_ =	swait.ge @!p0 [sflag:s0], s1  }
0x5b: {  	s1 =	ssub.s32 @!p0 $0x0, s1;
	[sflag:s0] =	ssyncset.done @!p0 $0x0  }
0x5c: {  	[sflag:s0] =	ssyncadd.s32 @!p0 s1  }
0x5d: {  	[bflag:$0x3] =	sbarrier.arrive $0xFFFF  }
0x5e: {  	_ =	shalt  }

// kernel: sparse-core-data-format-call.cloned.1.call-start
scs
called_computation_lowered:
.L_overlay_start_0:
0x0: {  	s1 =	sld [smem:$0x3FD9]  }
0x1: {  	s2 =	sld [smem:$0x3FFE];
	_ =	sdelay $0x1  }
0x2: {  	s3 =	srdreg.scid  }
0x3: {  	s0 =	sand.u32 $0x1, s3  }
0x4: {  	s17 =	sshll.u32 s0, $0xA;
	s1 =	sadd.s32 s2, s1  }
0x5: {  	s1 =	sadd.s32 s1, s17  }
0x6: {  	[smem:$0x3FC5] =	sst s1  }
0x7: {  	_ = 	snop  }
0x8: {  	(tm) =	ssettm $0x1  }
0x9: {  	s18 =	sld [smem:$0x3FFB];
	_ =	sdelay $0x3  }
0xa: {  	_ =	strace s18  }
0xb: {  	s1 =	sld [smem:$0x3FFC];
	_ =	sdelay $0x3  }
0xc: {  	_ =	strace s1  }
0xd: {  	s1 =	sld [smem:$0x3FFD];
	_ =	sdelay $0x3  }
0xe: {  	_ =	strace s1  }
0xf: {  	_ =	strace $0x8FFFFFFF  }
0x10: {  	s19 =	sld [smem:$0x3FDB];
	_ =	sdelay $0x1  }
0x11: {  	s20 =	simm.s32 $_scs_section_size  }
0x12: {  	s4 =	simm.s32 $_size__tile_overlayer_lowered;
	s5 =	simm.s32 $_tile_overlayer_lowered  }
0x13: {  	s23 =	simm.s32 $0x1BFF;
	s22 =	sshll.u32 s5, $0x1;
	s1 =	sadd.s32 s20, s19  }
0x14: {  	s6 =	simm.s32 $0x0;
	s21 =	sshll.u32 s4, $0x1;
	s4 =	sadd.s32 s22, s1  }
0x15: {  	[timem:s6], [sflag:s23] =	dma.local [hbm:s4], s21  }
0x16: {  	_ =	swait.ge [sflag:s23], s21  }
0x17: {  	s2 =	ssub.s32 $0x0, s21;
	[sflag:s23] =	ssyncset.done $0x0  }
0x18: {  	[sflag:s23] =	ssyncadd.s32 s2;
	_ =	sdelay $0x1  }
0x19: {  	s24 =	simm.s32 $0x1B8B  }
0x1a: {  	_ =	swait.ge [sflag:s24], $0x1  }
0x1b: {  	[sflag:s24] =	ssyncset.done $0x0  }
0x1c: {  	s26 =	simm.s32 $0x1B8E;
	s25 =	sld [smem:$0x3FFE];
	[sflag:s24] =	ssyncadd.s32 $0xFFFFFFFF  }
0x1d: {  	s27 =	simm.s32 $execute0_lowered;
	[smem:$0x3FD2] =	sst s26  }
0x1e: {  	s4 =	sshll.u32 s27, $0x1;
	_ =	strace $0x8000004C;
	[dreg:$0x1] =	wrdreg $0xFFFFFFFF  }
0x1f: {  	s28 =	simm.s32 $_size_execute0_lowered;
	s1 =	sadd.s32 s1, s4;
	[dreg:$0x0] =	wrdreg $0x0  }
0x20: {  	s4 =	sshll.u32 s28, $0x1;
	[dreg:$0x2] =	wrdreg s1  }
0x21: {  	[dreg:$0x3] =	wrdreg s4  }
0x22: {  	[dreg:$0x4] =	wrdreg $0xC0  }
0x23: {  	_ =	task [dreg:s6], $0x5FFFF  }
0x24: {  	[dreg:$0x1] =	wrdreg $0xFFFFFFFF  }
0x25: {  	[dreg:$0x0] =	wrdreg $0x60  }
0x26: {  	[dreg:$0x2] =	wrdreg s25  }
0x27: {  	[dreg:$0x3] =	wrdreg $0x9  }
0x28: {  	_ =	task.clear_ibuf [dreg:s6], $0x4FFFF;
	_ =	strace $0x9000004C  }
0x29: {  	s29 =	simm.s32 $0x9;
	_ =	strace $0x8000004E  }
0x2a: {  	_ =	swait.ge [sflag:s29], $0x1  }
0x2b: {  	[sflag:s29] =	ssyncadd.s32 $0xFFFFFFFF  }
0x2c: {  	_ =	strace $0x9000004E  }
0x2d: {  	_ =	sfence  }
0x2e: {  	s30 =	sld [smem:$0x0];
	_ =	sdelay $0x2  }
0x2f: {  	s31 =	sshll.u32 s3, $0xD;
	s3 =	sshrl.u32 s3, $0x2  }
0x30: {  	s2 =	sand.u32 $0x4000, s31;
	s1 =	sadd.s32 s3, s30  }
0x31: {  	s0 =	sor.u32 s2, s0;
	s1 =	sshll.u32 s1, $0x11  }
0x32: {  	s0 =	sor.u32 s1, s0  }
0x33: {  	s0 =	sadd.s32 $0x8F2B, s0  }
0x34: {  	[sflag:s0] =	ssyncadd.remote.s32 $0x1  }
0x35: {  	_ =	sfence.sel $0xFFFF  }
0x36: {  	[dreg:$0x0] =	wrdreg $0xFFFFFFFF;
	(pc) =	sbr.abs _section_cstart, $3  }
0x37: {  	[dreg:$0x1] =	wrdreg $0xFFFFFFFF  }
0x38: {  	_ =	task.clear_ibuf [dreg:s6], $0x2FFFF;
	_ =	strace $0x9FFFFFFF  }
0x39: {  	(tm) =	ssettm $0x7FFFFFFF  }
tec
execute0_lowered:
.L_overlay_start_1:
0x0: {  	(tag) =	ssettag $0x1  }
0x1: {  	s0 =	srdreg.scid;
	s13 =	rddreg [dreg:$0x0];
	s4 =	simm.s32 $0x1  }
0x2: {  	s7 =	simm.s32 $0x2;
	s19 =	simm.s32 $0x0;
	s15 =	simm.s32 $0x4000  }
0x3: {  	s20 =	simm.s32 $0x0;
	s16 =	simm.s32 $0x0;
	s1 =	sshll.u32 s0, $0x4  }
0x4: {  	s18 =	simm.s32 $0x0;
	s0 =	stileid.u32;
	s1 =	sand.u32 $0x10, s1  }
0x5: {  	s3 =	sadd.s32 $0x410000, s13;
	s9 =	sadd.s32 $0x428000, s13;
	s2 =	sor.u32 s0, s1  }
0x6: {  	s10 =	sadd.s32 $0x430000, s13;
	s11 =	sadd.s32 $0x438000, s13;
	s2 =	sshll.u32 s2, $0x3  }
0x7: {  	s1 =	rddreg [dreg:$0x1];
	_ =	strace $0x8000004D;
	s5 =	ssub.s32 $0x400, s2  }
0x8: {  	s12 =	sadd.s32 $0x440000, s13;
	[sflag:s4] =	ssyncpa.u1 $0x0;
	s6 =	sand.u32 $0xF8, s5  }
.Ltmp0:
0x9: {  	p0 =	sne.s32 s6, $0x0;
	s6 =	simm.s32 $0x1;
	(pc) =	sbr.rel .LBB1_1-.Ltmp0, $4  }
0xa: {  	[sflag:s7] =	ssyncpa.u1 $0x0;
	s8 =	sshrl.u32 s5, $0x8;
	s6 =	simm.s32 @!p0 $0x0  }
0xb: {  	s7 =	sadd.s32 $0x418000, s13;
	s17 =	smov.u32 s2;
	s6 =	sadd.s32 s6, s8  }
0xc: {  	s5 =	sadd.s32 $0x10000, s13;
	p0 =	por $0x0, $0x0;
	s6 =	sshll.u32 s6, $0x4  }
0xd: {  	s8 =	sadd.s32 $0x420000, s13;
	s13 =	sadd.s32 $0x448000, s13;
	s14 =	sor.u32 $0x1, s6  }
.LBB1_7:
0xe: {  	s21 =	sadd.s32 $0x80, s16  }
0xf: {  	s19 =	sadd.s32 $0x100, s17;
	s23 =	smov.u32 s17;
	p2 =	sgt.s32 s21, $0x7FF  }
0x10: {  	s23 =	smov.u32 @p2 s19  }
0x11: {  	s21 =	simm.s32 @p2 $0x0;
	p2 =	sgt.s32 s23, $0x3FF  }
0x12: {  	s23 =	smov.u32 @p2 s2;
	p2 =	sne.s32 s18, s14  }
.Ltmp1:
0x13: {  	p1 =	slt.u32 s18, $0x2;
	(pc) =	sbr.rel @!p2 .LBB1_8-.Ltmp1, $4  }
0x14: {  	s22 =	simm.s32 @!p1 $0x2  }
0x15: {  	s20 =	smov.u32 s17;
	p0 =	por !p0, !p0;
	_ =	swait.ge @!p1 [sflag:s22], $0x4000  }
0x16: {  	s19 =	smov.u32 s16;
	[sflag:s22] =	ssyncset.done @!p1 $0x0;
	s16 =	smov.u32 s21  }
0x17: {  	s18 =	sadd.s32 $0x1, s18;
	[sflag:s22] =	ssyncadd.s32 @!p1 $0xFFFFC000;
	s17 =	smov.u32 s23  }
.LBB1_1:
0x18: {  	p1 =	sge.u32 s18, s6  }
0x19: {  	s21 =	sxor.u32 @!p1 $0xFFFFFFFF, s18  }
0x1a: {  	s22 =	sshll.u32 @!p1 s17, $0xF;
	s23 =	sshll.u32 @!p1 s16, $0x4;
	s25 =	simm.s32 @!p1 $0x10  }
0x1b: {  	s21 =	sshll.u32 @!p1 s21, $0xE;
	s23 =	sand.u32 @!p1 $0x7FF0, s23;
	s24 =	sadd.s32 @!p1 s3, s22  }
0x1c: {  	s26 =	simm.s32 @!p1 $0x80;
	s21 =	sand.u32 @!p1 $0x4000, s21;
	s24 =	sadd.s32 @!p1 s23, s24  }
0x1d: {  	[tilespmem:s21], [sflag:$0x1] =	stream.strided.gather @!p1 [hbm4b:s24+s25], $0x800, s26, s25, $0x38;
	[tilespmem:$0x10100] =	vst v63  }
0x1e: {  	s24 =	sadd.s32 @!p1 s22, s7  }
0x1f: {  	s27 =	sor.u32 @!p1 $0x800, s21;
	s24 =	sadd.s32 @!p1 s23, s24  }
0x20: {  	[tilespmem:s27], [sflag:$0x1] =	stream.strided.gather @!p1 [hbm4b:s24+s25], $0x800, s26, s25, $0x38;
	[tilespmem:$0x10100] =	vst v63  }
0x21: {  	s24 =	sadd.s32 @!p1 s22, s8  }
0x22: {  	s27 =	sor.u32 @!p1 $0x1000, s21;
	s24 =	sadd.s32 @!p1 s23, s24  }
0x23: {  	[tilespmem:s27], [sflag:$0x1] =	stream.strided.gather @!p1 [hbm4b:s24+s25], $0x800, s26, s25, $0x38;
	[tilespmem:$0x10100] =	vst v63  }
0x24: {  	s24 =	sadd.s32 @!p1 s22, s9  }
0x25: {  	s27 =	sor.u32 @!p1 $0x1800, s21;
	s24 =	sadd.s32 @!p1 s23, s24  }
0x26: {  	[tilespmem:s27], [sflag:$0x1] =	stream.strided.gather @!p1 [hbm4b:s24+s25], $0x800, s26, s25, $0x38;
	[tilespmem:$0x10100] =	vst v63  }
0x27: {  	s24 =	sadd.s32 @!p1 s22, s10  }
0x28: {  	s27 =	sor.u32 @!p1 $0x2000, s21;
	s24 =	sadd.s32 @!p1 s23, s24  }
0x29: {  	[tilespmem:s27], [sflag:$0x1] =	stream.strided.gather @!p1 [hbm4b:s24+s25], $0x800, s26, s25, $0x38;
	[tilespmem:$0x10100] =	vst v63  }
0x2a: {  	s24 =	sadd.s32 @!p1 s22, s11  }
0x2b: {  	s27 =	sor.u32 @!p1 $0x2800, s21;
	s24 =	sadd.s32 @!p1 s23, s24  }
0x2c: {  	[tilespmem:s27], [sflag:$0x1] =	stream.strided.gather @!p1 [hbm4b:s24+s25], $0x800, s26, s25, $0x38;
	[tilespmem:$0x10100] =	vst v63  }
0x2d: {  	s24 =	sadd.s32 @!p1 s22, s12  }
0x2e: {  	s27 =	sor.u32 @!p1 $0x3000, s21;
	s22 =	sadd.s32 @!p1 s22, s13;
	s24 =	sadd.s32 @!p1 s23, s24  }
0x2f: {  	[tilespmem:s27], [sflag:$0x1] =	stream.strided.gather @!p1 [hbm4b:s24+s25], $0x800, s26, s25, $0x38;
	[tilespmem:$0x10100] =	vst v63  }
0x30: {  	s31 =	sadd.s32 $0xFFFFFFFF, s18;
	s21 =	sor.u32 @!p1 $0x3800, s21;
	s22 =	sadd.s32 @!p1 s23, s22  }
0x31: {  	[tilespmem:s21], [sflag:$0x1] =	stream.strided.gather @!p1 [hbm4b:s22+s25], $0x800, s26, s25, $0x38;
	[tilespmem:$0x10100] =	vst v63  }
0x32: {  	p1 =	sge.u32 s31, s6  }
.Ltmp2:
0x33: {  	_ = 	snop;
	(pc) =	sbr.rel @p1 .LBB1_7-.Ltmp2, $1  }
0x34: {  	_ =	sdelay $0x3  }
0x35: {  	s21 =	simm.s32 $0x1;
	s23 =	sand.u32 $0x1, s18  }
0x36: {  	_ =	swait.ge [sflag:s4], $0x4000;
	s21 =	simm.s32 @!p0 $0x0;
	s24 =	smul.u32 $0x10200, s23  }
0x37: {  	[sflag:s4] =	ssyncset.done $0x0;
	s22 =	smul.u32 $0x10200, s21  }
0x38: {  	s21 =	sshll.u32 s21, $0xE;
	[sflag:s4] =	ssyncadd.s32 $0xFFFFC000  }
0x39: {  	s23 =	sor.u32 $0x40, s21;
	s31 =	sshrl.u32 s24, $0x2;
	s22 =	sshrl.u32 s22, $0x2  }
0x3a: {  	s24 =	simm.s32 $0x0;
	s21 =	sor.u32 $0x8000, s31;
	s22 =	sor.u32 $0x8007, s22  }
.LBB1_3:
0x3b: {  	v3 =	vld [tilespmem:s23+$0x30]  }
0x3c: {  	v4 =	vld [tilespmem:s23+$0xFFFFFFD0]  }
0x3d: {  	v5 =	vld [tilespmem:s23+$0xFFFFFFE0]  }
0x3e: {  	v1 =	vld [tilespmem:s23+$0xFFFFFFF0]  }
0x3f: {  	v0 =	vld [tilespmem:s23+$0x0]  }
0x40: {  	v2 =	vld [tilespmem:s23+$0x10];
	[tilespmem:s22+$0x0 ss:$0x81] =	vst.msk $0xffff, v3  }
0x41: {  	[tilespmem:s22+$0xFFFFFFFA ss:$0x81] =	vst.msk $0xffff, v4;
	v4 =	vld [tilespmem:s23+$0x20]  }
0x42: {  	s26 =	simm.s32 $0x0;
	s27 =	sadd.s32 $0x80, s23;
	s25 =	smov.u32 s22;
	v3 =	vld [tilespmem:s23+$0xFFFFFFC0];
	[tilespmem:s22+$0xFFFFFFFB ss:$0x81] =	vst.msk $0xffff, v5  }
.LBB1_4:
0x43: {  	v5 =	vld [tilespmem:s27+$0x30];
	s26 =	sadd.s32 $0x8, s26;
	[tilespmem:s25+$0xFFFFFFFC ss:$0x81] =	vst.msk $0xffff, v1  }
0x44: {  	v6 =	vld [tilespmem:s27+$0xFFFFFFD0];
	p1 =	slt.u32 s26, $0x78;
	[tilespmem:s25+$0xFFFFFFFD ss:$0x81] =	vst.msk $0xffff, v0  }
0x45: {  	v7 =	vld [tilespmem:s27+$0xFFFFFFE0];
	[tilespmem:s25+$0xFFFFFFFE ss:$0x81] =	vst.msk $0xffff, v2  }
.Ltmp3:
0x46: {  	v1 =	vld [tilespmem:s27+$0xFFFFFFF0];
	[tilespmem:s25+$0xFFFFFFFF ss:$0x81] =	vst.msk $0xffff, v4;
	(pc) =	sbr.rel @p1 .LBB1_4-.Ltmp3, $4  }
0x47: {  	v0 =	vld [tilespmem:s27+$0x0];
	[tilespmem:s25+$0xFFFFFFF9 ss:$0x81] =	vst.msk $0xffff, v3;
	s25 =	sadd.s32 $0x8, s25  }
0x48: {  	v2 =	vld [tilespmem:s27+$0x10];
	[tilespmem:s25+$0x0 ss:$0x81] =	vst.msk $0xffff, v5  }
0x49: {  	[tilespmem:s25+$0xFFFFFFFA ss:$0x81] =	vst.msk $0xffff, v6;
	v4 =	vld [tilespmem:s27+$0x20]  }
0x4a: {  	v3 =	vld [tilespmem:s27+$0xFFFFFFC0];
	[tilespmem:s25+$0xFFFFFFFB ss:$0x81] =	vst.msk $0xffff, v7;
	s27 =	sadd.s32 $0x80, s27  }
0x4b: {  	s24 =	sadd.s32 $0x1, s24  }
0x4c: {  	p1 =	sne.s32 s24, $0x8  }
.Ltmp4:
0x4d: {  	[tilespmem:s25+$0xFFFFFFFC ss:$0x81] =	vst.msk $0xffff, v1;
	(pc) =	sbr.rel @p1 .LBB1_3-.Ltmp4, $4  }
0x4e: {  	[tilespmem:s25+$0xFFFFFFFD ss:$0x81] =	vst.msk $0xffff, v0  }
0x4f: {  	[tilespmem:s25+$0xFFFFFFFE ss:$0x81] =	vst.msk $0xffff, v2  }
0x50: {  	[tilespmem:s25+$0xFFFFFFFF ss:$0x81] =	vst.msk $0xffff, v4  }
0x51: {  	s22 =	sadd.s32 $0x810, s22;
	s23 =	sadd.s32 $0x800, s23;
	[tilespmem:s25+$0xFFFFFFF9 ss:$0x81] =	vst.msk $0xffff, v3  }
0x52: {  	s22 =	sshll.u32 s19, $0x3;
	s23 =	sand.u32 $0x78, s19;
	s20 =	sshll.u32 s20, $0xC  }
.Ltmp5:
0x53: {  	s30 =	sand.u32 $0xF00, s19;
	s22 =	sand.u32 $0x400, s22;
	(pc) =	sbr.rel .LBB1_7-.Ltmp5, $4  }
0x54: {  	s31 =	sand.u32 $0x7, s19;
	s20 =	sadd.s32 s5, s20;
	s22 =	sor.u32 s23, s22  }
0x55: {  	s19 =	sshll.u32 s31, $0x12;
	s20 =	sadd.s32 s30, s20;
	s22 =	sshrl.u32 s22, $0x3  }
0x56: {  	s19 =	sor.u32 $0x400, s19;
	s20 =	sadd.s32 s22, s20  }
0x57: {  	[hbm4b:s20+s19] =	stream.strided.scatter [tilespmem:s21], [sflag:$0x2], $0x4000, s15, s19, $0x20;
	[tilespmem:$0x10100] =	vst v63  }
.LBB1_8:
0x58: {  	_ =	sfence.sel $0x180000  }
0x59: {  	s2 =	simm.s32 $0x1;
	[bflag:$0x0] =	sbarrier.arrive $0xFFFF  }
0x5a: {  	s31 =	simm.s32 $0x2;
	[sflag:s2] =	ssyncpa.u1 $0x1  }
0x5b: {  	[sflag:s31] =	ssyncpa.u1 $0x1  }
0x5c: {  	p0 =	sne.s32 s0, $0x0;
	_ =	strace $0x9000004D  }
0x5d: {  	s0 =	sadd.s32 @!p0 $0x100000, s1;
	[bflag:$0x2] =	sbarrier.arrive $0xFFFF  }
0x5e: {  	[sflag:s0] =	ssyncadd.tile.s32 @!p0 $0x1;
	_ =	shalt  }
.Lfunc_end1:
_tile_overlayer_lowered:
.L_overlay_start_2:
0x5f: {  	(tag) =	ssettag $0x2  }
0x60: {  	s0 =	rddreg [dreg:$0x0];
	s2 =	stileid.u32  }
0x61: {  	s1 =	rddreg [dreg:$0x1];
	p0 =	sne.s32 s2, $0x0  }
0x62: {  	s3 =	rddreg [dreg:$0x2];
	[bflag:$0x3] =	sbarrier.arrive $0xFFFF;
	s2 =	simm.s32 @!p0 $0x1C01  }
0x63: {  	[timem:s3], [sflag:s2] =	dma.local @!p0 [hbm:s0], s1  }
0x64: {  	s0 =	simm.s32 @!p0 $0x1  }
0x65: {  	_ =	swait.ge @!p0 [sflag:s0], s1  }
0x66: {  	s1 =	ssub.s32 @!p0 $0x0, s1;
	[sflag:s0] =	ssyncset.done @!p0 $0x0  }
0x67: {  	[sflag:s0] =	ssyncadd.s32 @!p0 s1  }
0x68: {  	[bflag:$0x3] =	sbarrier.arrive $0xFFFF  }
0x69: {  	_ =	shalt  }

</sc_bundles>
